<compile_context>
chip_gen: v7x
topology: tpu7x:2x2x1
jax: 0.10.2.dev20260603
libtpu: 0.0.44.dev20260713+nightly
codegen_flags: <defaults>
</compile_context>

<pallas_src>
import functools

import jax
import jax.numpy as jnp
from jax import lax
from jax.experimental import pallas as pl
from jax.experimental.pallas import tpu as pltpu
from jax.experimental.pallas import tpu_sc as plsc

N = 10000
NP = 10240
E = 320000
D = 128

NC = 2
NS = 16
NW = NC * NS
L = 16
EPT = E // NW
CH = 80
IT = EPT // CH
DH = D // NC
EPS = E // NS
IT2 = EPS // CH
STRIPE = NP // NS
NR = NP // 128

_mesh = plsc.VectorSubcoreMesh(core_axis_name="c", subcore_axis_name="s")


def _deg_body(ei_h, z80_h, idn_h, out_h,
              srcv, dstv, dego_v, degi_v, idn_v, dego_sh, degi_sh):
    c = lax.axis_index("c")
    s = lax.axis_index("s")
    wid = c * NS + s
    pltpu.sync_copy(ei_h.at[0, pl.ds(wid * EPT, EPT)], srcv)
    pltpu.sync_copy(ei_h.at[1, pl.ds(wid * EPT, EPT)], dstv)
    pltpu.sync_copy(idn_h, idn_v)
    pltpu.sync_copy(z80_h, dego_v)
    pltpu.sync_copy(z80_h, degi_v)
    zs = pl.ds(s * (NR // NS), NR // NS)
    pltpu.sync_copy(z80_h.at[pl.ds(0, NR // NS)], dego_sh.at[zs])
    pltpu.sync_copy(z80_h.at[pl.ds(0, NR // NS)], degi_sh.at[zs])
    plsc.subcore_barrier()
    ones16 = jnp.full((L,), 1.0, jnp.float32)
    c127 = jnp.full((L,), 127, jnp.int32)

    def chunk(j, carry):
        for k in range(CH // L):
            sl = pl.ds(j * CH + k * L, L)
            sv = srcv[sl]
            dv = dstv[sl]
            plsc.addupdate_scatter(
                dego_v, [lax.shift_right_logical(sv, 7), sv & c127], ones16)
            plsc.addupdate_scatter(
                degi_v, [lax.shift_right_logical(dv, 7), dv & c127], ones16)
        return carry

    lax.fori_loop(0, IT, chunk, 0)
    pltpu.sync_copy(dego_v, dego_sh.at[idn_v], add=True)
    pltpu.sync_copy(degi_v, degi_sh.at[idn_v], add=True)
    plsc.subcore_barrier()
    pltpu.sync_copy(dego_sh.at[zs], out_h.at[c, 0, zs])
    pltpu.sync_copy(degi_sh.at[zs], out_h.at[c, 1, zs])


@functools.partial(
    pl.kernel,
    out_type=jax.ShapeDtypeStruct((NC, 2, NR, 128), jnp.float32),
    mesh=_mesh,
    compiler_params=pltpu.CompilerParams(
        needs_layout_passes=False, use_tc_tiling_on_sc=False),
    scratch_types=[
        pltpu.VMEM((EPT,), jnp.int32),
        pltpu.VMEM((EPT,), jnp.int32),
        pltpu.VMEM((NR, 128), jnp.float32),
        pltpu.VMEM((NR, 128), jnp.float32),
        pltpu.VMEM((NR,), jnp.int32),
        pltpu.VMEM_SHARED((NR, 128), jnp.float32),
        pltpu.VMEM_SHARED((NR, 128), jnp.float32),
    ],
)
def _deg_kernel(ei_h, z80_h, idn_h, out_h, *scratch):
    _deg_body(ei_h, z80_h, idn_h, out_h, *scratch)


G = 2
NG = IT2 // G


def _agg_body(m_h, nd_h, s2a_h, ei_h, zrow_h, znp_h, idn2_h, agg_out, c_out,
              idxv, rbuf2, tbl, idn2_v, agg_sh, sg0, sg1, ss0, ss1):
    c = lax.axis_index("c")
    s = lax.axis_index("s")
    wid = c * NS + s
    es = pl.ds(s * EPS, EPS)
    pltpu.sync_copy(s2a_h.at[es], idxv.at[pl.ds(0, EPS)])
    pltpu.sync_copy(ei_h.at[1, es], idxv.at[pl.ds(EPS, EPS)])
    pltpu.sync_copy(idn2_h.at[c, pl.ds(s * STRIPE, STRIPE)], idn2_v)
    pltpu.sync_copy(nd_h, tbl.at[pl.ds(0, NP)])
    pltpu.sync_copy(znp_h, tbl.at[pl.ds(NP, NP)])
    pltpu.sync_copy(zrow_h, agg_sh.at[pl.ds(s * STRIPE, STRIPE)])
    plsc.subcore_barrier()

    mc = m_h.at[pl.ds(c, 2 * N - 1)]
    npv = jnp.full((L,), NP, jnp.int32)
    GB = G * CH

    def rb(p, k):
        return rbuf2.at[pl.ds((p * G + k) * CH, CH)]

    def gidx(j):
        return idxv.at[pl.ds(j * CH, CH)]

    def didx(j):
        return idxv.at[pl.ds(EPS + j * CH, CH)]

    def fire_gathers(g, p, sem):
        for k in range(G):
            pltpu.async_copy(mc.at[gidx(g * G + k)], rb(p, k), sem)

    def drain_group(p, sem):
        pltpu.make_async_copy(
            mc.at[pl.ds(0, GB)], rbuf2.at[pl.ds(p * GB, GB)], sem).wait()

    def fire_scatters(g, p, sem):
        for k in range(G):
            pltpu.async_copy(
                rb(p, k), agg_sh.at[didx(g * G + k)], sem, add=True)

    def vpu_c(g):
        for k in range(G):
            j = g * G + k
            for kk in range(CH // L):
                vals = plsc.load_gather(
                    tbl, [idxv[pl.ds(EPS + j * CH + kk * L, L)]])
                plsc.addupdate_scatter(
                    tbl,
                    [lax.shift_right_logical(
                        idxv[pl.ds(j * CH + kk * L, L)], 1) + npv], vals)

    fire_gathers(0, 0, sg0)

    def outer(i, carry):
        g0 = 2 * i
        fire_gathers(g0 + 1, 1, sg1)
        drain_group(0, sg0)
        fire_scatters(g0, 0, ss0)
        vpu_c(g0)
        drain_group(0, ss0)
        fire_gathers(g0 + 2, 0, sg0)
        drain_group(1, sg1)
        fire_scatters(g0 + 1, 1, ss1)
        vpu_c(g0 + 1)
        drain_group(1, ss1)
        return carry

    lax.fori_loop(0, NG // 2, outer, 0)
    drain_group(0, sg0)
    fire_scatters(NG - 1, 0, ss0)
    vpu_c(NG - 1)
    drain_group(0, ss0)

    pltpu.sync_copy(tbl.at[pl.ds(NP, NP)], c_out.at[wid])
    plsc.subcore_barrier()
    for k in range(STRIPE // 128):
        pltpu.sync_copy(
            agg_sh.at[pl.ds(s * STRIPE + k * 128, 128)],
            rbuf2.at[pl.ds(0, 128)])
        pltpu.sync_copy(
            rbuf2.at[pl.ds(0, 128)],
            agg_out.at[idn2_v.at[pl.ds(k * 128, 128)]])


@functools.partial(
    pl.kernel,
    out_type=(
        jax.ShapeDtypeStruct((2 * NP, DH), jnp.float32),
        jax.ShapeDtypeStruct((NW, NP), jnp.float32),
    ),
    mesh=_mesh,
    compiler_params=pltpu.CompilerParams(
        needs_layout_passes=False, use_tc_tiling_on_sc=False),
    scratch_types=[
        pltpu.VMEM((2 * EPS,), jnp.int32),
        pltpu.VMEM((2 * G * CH, DH), jnp.float32),
        pltpu.VMEM((2 * NP,), jnp.float32),
        pltpu.VMEM((STRIPE,), jnp.int32),
        pltpu.VMEM_SHARED((NP, DH), jnp.float32),
        pltpu.SemaphoreType.DMA,
        pltpu.SemaphoreType.DMA,
        pltpu.SemaphoreType.DMA,
        pltpu.SemaphoreType.DMA,
    ],
)
def _agg_kernel(m_h, nd_h, s2a_h, ei_h, zrow_h, znp_h, idn2_h,
                agg_out, c_out, *scratch):
    _agg_body(m_h, nd_h, s2a_h, ei_h, zrow_h, znp_h, idn2_h,
              agg_out, c_out, *scratch)


def _mm_body(h_ref, w_ref, o_ref, sh_ref):
    o_ref[...] = jnp.dot(
        h_ref[...], w_ref[...], preferred_element_type=jnp.float32)
    sh_ref[...] = jnp.sum(h_ref[...], axis=0, keepdims=True)


def _scale_body(xw_ref, ns_ref, o_ref):
    o_ref[...] = xw_ref[...] * ns_ref[...]


def _fin_body(agg_ref, c_ref, nd_ref, ns_ref, sh_ref, b1_ref,
              w2_ref, b2_ref, wl_ref, bl_ref, o_ref):
    x = jnp.maximum(agg_ref[:N, :] * nd_ref[...] + b1_ref[...], 0.0)
    c_row = 0.5 * jnp.sum(c_ref[...], axis=0, keepdims=True)[:, :N]
    w_row = ns_ref[...] * c_row
    s = jnp.dot(w_row, x, preferred_element_type=jnp.float32)
    sh = sh_ref[...]
    o_ref[...] = (
        jnp.dot(s, w2_ref[...], preferred_element_type=jnp.float32)
        + jnp.dot(sh, wl_ref[...], preferred_element_type=jnp.float32)
    ) * (1.0 / N) + b2_ref[...] + bl_ref[...]


def kernel(h, edge_index, W1, b1, W2, b2, Wl, bl):
    ei = edge_index.astype(jnp.int32)
    s2a = ei[0] + ei[0]
    zrow = jnp.zeros((STRIPE, DH), jnp.float32)
    znp = jnp.zeros((NP,), jnp.float32)
    z80 = jnp.zeros((NR, 128), jnp.float32)
    idn = jnp.arange(NR, dtype=jnp.int32)
    iv = jnp.arange(NP, dtype=jnp.int32)
    idn2 = jnp.stack([iv + iv, iv + iv + 1])

    xw, sh = pl.pallas_call(
        _mm_body,
        out_shape=(
            jax.ShapeDtypeStruct((N, D), jnp.float32),
            jax.ShapeDtypeStruct((1, D), jnp.float32),
        ),
    )(h, W1)

    deg_parts = _deg_kernel(ei, z80, idn)
    deg = deg_parts.sum(axis=0).reshape(2, NP)[:, :N]
    norm = jnp.where(deg > 0, lax.rsqrt(jnp.maximum(deg, 1.0)), 0.0)
    ns_col = norm[0].reshape(N, 1)
    nd_col = norm[1].reshape(N, 1)
    nd_flat = jnp.pad(norm[1], (0, NP - N))

    m = pl.pallas_call(
        _scale_body,
        out_shape=jax.ShapeDtypeStruct((N, D), jnp.float32),
    )(xw, ns_col)
    m2 = m.reshape(2 * N, DH)

    agg_pp, c_pp = _agg_kernel(m2, nd_flat, s2a, ei, zrow, znp, idn2)
    agg128 = agg_pp.reshape(NP, D)
    ns_row = norm[0].reshape(1, N)

    out = pl.pallas_call(
        _fin_body,
        out_shape=jax.ShapeDtypeStruct((1, D), jnp.float32),
    )(agg128, c_pp, nd_col, ns_row, sh,
      b1.reshape(1, D), W2, b2.reshape(1, D), Wl, bl.reshape(1, D))
    return out

# --- scband reference (transcript-rebuilt; emitter-appended) ---
"""Pipeline reference for scband-my-gcn-47579647705315 (READ-ONLY COPY).

The authoritative reference and input builder live on the scoring server;
editing this copy changes nothing except your own understanding.
"""

import jax, jax.numpy as jnp
import numpy as np

N = 10000
E = 320000
D_IN = 128
D = 128


def setup_inputs(seed: int = 0) -> dict:
    key = jax.random.key(seed)
    ks = jax.random.split(key, 8)
    h = jax.random.normal(ks[0], (N, D_IN), dtype=jnp.float32)
    edge_index = jax.random.randint(ks[1], (2, E), 0, N).astype(jnp.int64)
    # GCNConv 1: input_size -> embed_dim
    W1 = jax.random.normal(ks[2], (D_IN, D), dtype=jnp.float32) / np.sqrt(D_IN)
    b1 = jnp.zeros((D,), dtype=jnp.float32)
    # GCNConv 2: embed_dim -> embed_dim
    W2 = jax.random.normal(ks[3], (D, D), dtype=jnp.float32) / np.sqrt(D)
    b2 = jnp.zeros((D,), dtype=jnp.float32)
    # Linear: input_size -> embed_dim
    Wl = jax.random.normal(ks[4], (D_IN, D), dtype=jnp.float32) / np.sqrt(D_IN)
    bl = jnp.zeros((D,), dtype=jnp.float32)
    return {"h": h, "edge_index": edge_index, "W1": W1, "b1": b1, "W2": W2, "b2": b2, "Wl": Wl, "bl": bl}


def _gcn_conv(x, src, dst, W, b, n_nodes):
    # DGL GraphConv with norm='both', allow_zero_in_degree=True:
    # out = D_in^{-1/2} * A^T * (D_out^{-1/2} * x) @ W + b
    ones = jnp.ones((src.shape[0],), dtype=x.dtype)
    deg_out = jnp.zeros((n_nodes,), dtype=x.dtype).at[src].add(ones)
    deg_in = jnp.zeros((n_nodes,), dtype=x.dtype).at[dst].add(ones)
    norm_src = jnp.where(deg_out > 0, jax.lax.rsqrt(jnp.maximum(deg_out, 1.0)), 0.0)
    norm_dst = jnp.where(deg_in > 0, jax.lax.rsqrt(jnp.maximum(deg_in, 1.0)), 0.0)
    xw = x @ W  # apply weight first (same math, fewer flops when d_in >= d_out)
    msg = xw * norm_src[:, None]
    gathered = jnp.take(msg, src, axis=0)
    agg = jnp.zeros((n_nodes, xw.shape[1]), dtype=x.dtype).at[dst].add(gathered)
    return agg * norm_dst[:, None] + b


def reference(h, edge_index, W1, b1, W2, b2, Wl, bl):
    src = edge_index[0]
    dst = edge_index[1]
    n = h.shape[0]
    x = _gcn_conv(h, src, dst, W1, b1, n)
    x = jax.nn.relu(x)
    x = _gcn_conv(x, src, dst, W2, b2, n)
    h_res = h @ Wl + bl
    # AvgPooling over a single graph: mean over all nodes -> [1, D]
    out = jnp.mean(x + h_res, axis=0, keepdims=True)
    return out

if __name__ == "__main__":
    import jax
    _d = setup_inputs()
    print(jax.jit(kernel)(*tuple(_d.values())))

</pallas_src>

<mosaic_0001>
#map = affine_map<(d0, d1) -> (0, 0)>
#map1 = affine_map<(d0, d1) -> (0)>
#map2 = affine_map<(d0, d1) -> (0, 0, 0, 0)>
module attributes {stable_mosaic.version = 14 : i64} {
  func.func @_deg_kernel(%arg0: i32, %arg1: i32, %arg2: memref<2x320000xi32, #tpu.memory_space<hbm>>, %arg3: memref<80x128xf32, #tpu.memory_space<hbm>>, %arg4: memref<80xi32, #tpu.memory_space<hbm>>, %arg5: memref<2x2x80x128xf32, #tpu.memory_space<hbm>>, %arg6: memref<10000xi32, #tpu.memory_space<vmem>>, %arg7: memref<10000xi32, #tpu.memory_space<vmem>>, %arg8: memref<80x128xf32, #tpu.memory_space<vmem>>, %arg9: memref<80x128xf32, #tpu.memory_space<vmem>>, %arg10: memref<80xi32, #tpu.memory_space<vmem>>, %arg11: memref<80x128xf32, #tpu.memory_space<vmem_shared>>, %arg12: memref<80x128xf32, #tpu.memory_space<vmem_shared>>) attributes {dimension_semantics = [#tpu.dimension_semantics<core_parallel>, #tpu.dimension_semantics<subcore_parallel>], iteration_bounds = array<i64: 2, 16>, scalar_prefetch = 0 : i64, scratch_operands = 7 : i64, tpu.core_type = #tpu.core_type<sc_vector_subcore>, window_params = [{transform_indices = #map}, {transform_indices = #map}, {transform_indices = #map1}, {transform_indices = #map2}]} {
    %mul3A = arith.constant 16 : i32
    %mul3A_0 = arith.muli %arg0, %mul3A : i32
    %add3A = arith.addi %mul3A_0, %arg1 : i32
    %mul3A_1 = arith.constant 10000 : i32
    %mul3A_2 = arith.muli %add3A, %mul3A_1 : i32
    %run_scoped3A = arith.constant 0 : i32
    "tpu.region"() ({
      %run_scoped3A_19 = tpu.sem_alloc : memref<!tpu.dma_semaphore, #tpu.memory_space<semaphore_mem>>
      %dma_start3A = tpu.memref_slice %arg2[%run_scoped3A, %mul3A_2] : memref<2x320000xi32, #tpu.memory_space<hbm>> -> memref<1x10000xi32, #tpu.memory_space<hbm>>
      %dma_start3A_20 = tpu.memref_squeeze %dma_start3A : memref<1x10000xi32, #tpu.memory_space<hbm>> -> memref<10000xi32, #tpu.memory_space<hbm>>
      %dma_start3A_21 = tpu.memref_slice %arg2[%run_scoped3A, %mul3A_2] : memref<2x320000xi32, #tpu.memory_space<hbm>> -> memref<1x10000xi32, #tpu.memory_space<hbm>>
      %dma_start3A_22 = tpu.memref_squeeze %dma_start3A_21 : memref<1x10000xi32, #tpu.memory_space<hbm>> -> memref<10000xi32, #tpu.memory_space<hbm>>
      tpu.enqueue_dma source(%dma_start3A_22 : memref<10000xi32, #tpu.memory_space<hbm>>) target(%arg6 : memref<10000xi32, #tpu.memory_space<vmem>>) target_semaphore(%run_scoped3A_19 : memref<!tpu.dma_semaphore, #tpu.memory_space<semaphore_mem>>)
      %dma_wait3A = tpu.memref_slice %arg2[%run_scoped3A, %mul3A_2] : memref<2x320000xi32, #tpu.memory_space<hbm>> -> memref<1x10000xi32, #tpu.memory_space<hbm>>
      %dma_wait3A_23 = tpu.memref_squeeze %dma_wait3A : memref<1x10000xi32, #tpu.memory_space<hbm>> -> memref<10000xi32, #tpu.memory_space<hbm>>
      %dma_wait3A_24 = tpu.memref_slice %arg2[%run_scoped3A, %mul3A_2] : memref<2x320000xi32, #tpu.memory_space<hbm>> -> memref<1x10000xi32, #tpu.memory_space<hbm>>
      %dma_wait3A_25 = tpu.memref_squeeze %dma_wait3A_24 : memref<1x10000xi32, #tpu.memory_space<hbm>> -> memref<10000xi32, #tpu.memory_space<hbm>>
      tpu.wait_dma2 semaphore(%run_scoped3A_19 : memref<!tpu.dma_semaphore, #tpu.memory_space<semaphore_mem>>) src(%dma_wait3A_25 : memref<10000xi32, #tpu.memory_space<hbm>>) dst(%arg6 : memref<10000xi32, #tpu.memory_space<vmem>>)
      tpu.yield
    }) : () -> ()
    %mul3A_3 = arith.constant 10000 : i32
    %mul3A_4 = arith.muli %add3A, %mul3A_3 : i32
    %run_scoped3A_5 = arith.constant 1 : i32
    "tpu.region"() ({
      %run_scoped3A_19 = tpu.sem_alloc : memref<!tpu.dma_semaphore, #tpu.memory_space<semaphore_mem>>
      %dma_start3A = tpu.memref_slice %arg2[%run_scoped3A_5, %mul3A_4] : memref<2x320000xi32, #tpu.memory_space<hbm>> -> memref<1x10000xi32, #tpu.memory_space<hbm>>
      %dma_start3A_20 = tpu.memref_squeeze %dma_start3A : memref<1x10000xi32, #tpu.memory_space<hbm>> -> memref<10000xi32, #tpu.memory_space<hbm>>
      %dma_start3A_21 = tpu.memref_slice %arg2[%run_scoped3A_5, %mul3A_4] : memref<2x320000xi32, #tpu.memory_space<hbm>> -> memref<1x10000xi32, #tpu.memory_space<hbm>>
      %dma_start3A_22 = tpu.memref_squeeze %dma_start3A_21 : memref<1x10000xi32, #tpu.memory_space<hbm>> -> memref<10000xi32, #tpu.memory_space<hbm>>
      tpu.enqueue_dma source(%dma_start3A_22 : memref<10000xi32, #tpu.memory_space<hbm>>) target(%arg7 : memref<10000xi32, #tpu.memory_space<vmem>>) target_semaphore(%run_scoped3A_19 : memref<!tpu.dma_semaphore, #tpu.memory_space<semaphore_mem>>)
      %dma_wait3A = tpu.memref_slice %arg2[%run_scoped3A_5, %mul3A_4] : memref<2x320000xi32, #tpu.memory_space<hbm>> -> memref<1x10000xi32, #tpu.memory_space<hbm>>
      %dma_wait3A_23 = tpu.memref_squeeze %dma_wait3A : memref<1x10000xi32, #tpu.memory_space<hbm>> -> memref<10000xi32, #tpu.memory_space<hbm>>
      %dma_wait3A_24 = tpu.memref_slice %arg2[%run_scoped3A_5, %mul3A_4] : memref<2x320000xi32, #tpu.memory_space<hbm>> -> memref<1x10000xi32, #tpu.memory_space<hbm>>
      %dma_wait3A_25 = tpu.memref_squeeze %dma_wait3A_24 : memref<1x10000xi32, #tpu.memory_space<hbm>> -> memref<10000xi32, #tpu.memory_space<hbm>>
      tpu.wait_dma2 semaphore(%run_scoped3A_19 : memref<!tpu.dma_semaphore, #tpu.memory_space<semaphore_mem>>) src(%dma_wait3A_25 : memref<10000xi32, #tpu.memory_space<hbm>>) dst(%arg7 : memref<10000xi32, #tpu.memory_space<vmem>>)
      tpu.yield
    }) : () -> ()
    "tpu.region"() ({
      %run_scoped3A_19 = tpu.sem_alloc : memref<!tpu.dma_semaphore, #tpu.memory_space<semaphore_mem>>
      tpu.enqueue_dma source(%arg4 : memref<80xi32, #tpu.memory_space<hbm>>) target(%arg10 : memref<80xi32, #tpu.memory_space<vmem>>) target_semaphore(%run_scoped3A_19 : memref<!tpu.dma_semaphore, #tpu.memory_space<semaphore_mem>>)
      tpu.wait_dma2 semaphore(%run_scoped3A_19 : memref<!tpu.dma_semaphore, #tpu.memory_space<semaphore_mem>>) src(%arg4 : memref<80xi32, #tpu.memory_space<hbm>>) dst(%arg10 : memref<80xi32, #tpu.memory_space<vmem>>)
      tpu.yield
    }) : () -> ()
    "tpu.region"() ({
      %run_scoped3A_19 = tpu.sem_alloc : memref<!tpu.dma_semaphore, #tpu.memory_space<semaphore_mem>>
      tpu.enqueue_dma source(%arg3 : memref<80x128xf32, #tpu.memory_space<hbm>>) target(%arg8 : memref<80x128xf32, #tpu.memory_space<vmem>>) target_semaphore(%run_scoped3A_19 : memref<!tpu.dma_semaphore, #tpu.memory_space<semaphore_mem>>)
      tpu.wait_dma2 semaphore(%run_scoped3A_19 : memref<!tpu.dma_semaphore, #tpu.memory_space<semaphore_mem>>) src(%arg3 : memref<80x128xf32, #tpu.memory_space<hbm>>) dst(%arg8 : memref<80x128xf32, #tpu.memory_space<vmem>>)
      tpu.yield
    }) : () -> ()
    "tpu.region"() ({
      %run_scoped3A_19 = tpu.sem_alloc : memref<!tpu.dma_semaphore, #tpu.memory_space<semaphore_mem>>
      tpu.enqueue_dma source(%arg3 : memref<80x128xf32, #tpu.memory_space<hbm>>) target(%arg9 : memref<80x128xf32, #tpu.memory_space<vmem>>) target_semaphore(%run_scoped3A_19 : memref<!tpu.dma_semaphore, #tpu.memory_space<semaphore_mem>>)
      tpu.wait_dma2 semaphore(%run_scoped3A_19 : memref<!tpu.dma_semaphore, #tpu.memory_space<semaphore_mem>>) src(%arg3 : memref<80x128xf32, #tpu.memory_space<hbm>>) dst(%arg9 : memref<80x128xf32, #tpu.memory_space<vmem>>)
      tpu.yield
    }) : () -> ()
    %mul3A_6 = arith.constant 5 : i32
    %mul3A_7 = arith.muli %arg1, %mul3A_6 : i32
    "tpu.region"() ({
      %run_scoped3A_19 = tpu.sem_alloc : memref<!tpu.dma_semaphore, #tpu.memory_space<semaphore_mem>>
      %dma_start3A = arith.constant 0 : i32
      %dma_start3A_20 = tpu.memref_slice %arg11[%mul3A_7, %dma_start3A] : memref<80x128xf32, #tpu.memory_space<vmem_shared>> -> memref<5x128xf32, #tpu.memory_space<vmem_shared>>
      %dma_start3A_21 = arith.constant 0 : i32
      %dma_start3A_22 = arith.constant 0 : i32
      %dma_start3A_23 = tpu.memref_slice %arg3[%dma_start3A_21, %dma_start3A_22] : memref<80x128xf32, #tpu.memory_space<hbm>> -> memref<5x128xf32, #tpu.memory_space<hbm>>
      tpu.enqueue_dma source(%dma_start3A_23 : memref<5x128xf32, #tpu.memory_space<hbm>>) target(%dma_start3A_20 : memref<5x128xf32, #tpu.memory_space<vmem_shared>>) target_semaphore(%run_scoped3A_19 : memref<!tpu.dma_semaphore, #tpu.memory_space<semaphore_mem>>)
      %dma_wait3A = arith.constant 0 : i32
      %dma_wait3A_24 = tpu.memref_slice %arg11[%mul3A_7, %dma_wait3A] : memref<80x128xf32, #tpu.memory_space<vmem_shared>> -> memref<5x128xf32, #tpu.memory_space<vmem_shared>>
      %dma_wait3A_25 = arith.constant 0 : i32
      %dma_wait3A_26 = arith.constant 0 : i32
      %dma_wait3A_27 = tpu.memref_slice %arg3[%dma_wait3A_25, %dma_wait3A_26] : memref<80x128xf32, #tpu.memory_space<hbm>> -> memref<5x128xf32, #tpu.memory_space<hbm>>
      tpu.wait_dma2 semaphore(%run_scoped3A_19 : memref<!tpu.dma_semaphore, #tpu.memory_space<semaphore_mem>>) src(%dma_wait3A_27 : memref<5x128xf32, #tpu.memory_space<hbm>>) dst(%dma_wait3A_24 : memref<5x128xf32, #tpu.memory_space<vmem_shared>>)
      tpu.yield
    }) : () -> ()
    "tpu.region"() ({
      %run_scoped3A_19 = tpu.sem_alloc : memref<!tpu.dma_semaphore, #tpu.memory_space<semaphore_mem>>
      %dma_start3A = arith.constant 0 : i32
      %dma_start3A_20 = tpu.memref_slice %arg12[%mul3A_7, %dma_start3A] : memref<80x128xf32, #tpu.memory_space<vmem_shared>> -> memref<5x128xf32, #tpu.memory_space<vmem_shared>>
      %dma_start3A_21 = arith.constant 0 : i32
      %dma_start3A_22 = arith.constant 0 : i32
      %dma_start3A_23 = tpu.memref_slice %arg3[%dma_start3A_21, %dma_start3A_22] : memref<80x128xf32, #tpu.memory_space<hbm>> -> memref<5x128xf32, #tpu.memory_space<hbm>>
      tpu.enqueue_dma source(%dma_start3A_23 : memref<5x128xf32, #tpu.memory_space<hbm>>) target(%dma_start3A_20 : memref<5x128xf32, #tpu.memory_space<vmem_shared>>) target_semaphore(%run_scoped3A_19 : memref<!tpu.dma_semaphore, #tpu.memory_space<semaphore_mem>>)
      %dma_wait3A = arith.constant 0 : i32
      %dma_wait3A_24 = tpu.memref_slice %arg12[%mul3A_7, %dma_wait3A] : memref<80x128xf32, #tpu.memory_space<vmem_shared>> -> memref<5x128xf32, #tpu.memory_space<vmem_shared>>
      %dma_wait3A_25 = arith.constant 0 : i32
      %dma_wait3A_26 = arith.constant 0 : i32
      %dma_wait3A_27 = tpu.memref_slice %arg3[%dma_wait3A_25, %dma_wait3A_26] : memref<80x128xf32, #tpu.memory_space<hbm>> -> memref<5x128xf32, #tpu.memory_space<hbm>>
      tpu.wait_dma2 semaphore(%run_scoped3A_19 : memref<!tpu.dma_semaphore, #tpu.memory_space<semaphore_mem>>) src(%dma_wait3A_27 : memref<5x128xf32, #tpu.memory_space<hbm>>) dst(%dma_wait3A_24 : memref<5x128xf32, #tpu.memory_space<vmem_shared>>)
      tpu.yield
    }) : () -> ()
    %barrier3A = arith.constant 0 : index
    tpu.barrier barrier_id(%barrier3A)
    %broadcast_in_dim3A = arith.constant 1.000000e+00 : f32
    %broadcast_in_dim3A_8 = vector.broadcast %broadcast_in_dim3A : f32 to vector<16xf32>
    %broadcast_in_dim3A_9 = arith.constant 127 : i32
    %broadcast_in_dim3A_10 = vector.broadcast %broadcast_in_dim3A_9 : i32 to vector<16xi32>
    %scan3A = arith.constant 0 : i32
    %scan3A_11 = arith.constant 0 : i32
    %scan3A_12 = arith.constant 125 : i32
    %scan3A_13 = arith.addi %scan3A_11, %scan3A_12 : i32
    %scan3A_14 = arith.constant 1 : i32
    scf.for %scan3A_19 = %scan3A_11 to %scan3A_13 step %scan3A_14  : i32 {
      %mul3A_20 = arith.constant 80 : i32
      %mul3A_21 = arith.muli %scan3A_19, %mul3A_20 : i32
      %add3A_22 = arith.constant 0 : i32
      %add3A_23 = arith.addi %mul3A_21, %add3A_22 : i32
      %get3A = arith.index_cast %add3A_23 : i32 to index
      %get3A_24 = tpu.vector_load %arg6[%get3A] {strides = array<i32>} : memref<10000xi32, #tpu.memory_space<vmem>>, vector<16xi32>,
      %get3A_25 = arith.index_cast %add3A_23 : i32 to index
      %get3A_26 = tpu.vector_load %arg7[%get3A_25] {strides = array<i32>} : memref<10000xi32, #tpu.memory_space<vmem>>, vector<16xi32>,
      %shift_right_logical3A = arith.constant 7 : i32
      %shift_right_logical3A_27 = vector.broadcast %shift_right_logical3A : i32 to vector<16xi32>
      %shift_right_logical3A_28 = arith.shrui %get3A_24, %shift_right_logical3A_27 : vector<16xi32>
      %and3A = arith.andi %get3A_24, %broadcast_in_dim3A_10 : vector<16xi32>
      tpu.vector_store_idx %arg8[%shift_right_logical3A_28, %and3A], %broadcast_in_dim3A_8 {add = true} : memref<80x128xf32, #tpu.memory_space<vmem>>[vector<16xi32>, vector<16xi32>], vector<16xf32>,
      %shift_right_logical3A_29 = arith.constant 7 : i32
      %shift_right_logical3A_30 = vector.broadcast %shift_right_logical3A_29 : i32 to vector<16xi32>
      %shift_right_logical3A_31 = arith.shrui %get3A_26, %shift_right_logical3A_30 : vector<16xi32>
      %and3A_32 = arith.andi %get3A_26, %broadcast_in_dim3A_10 : vector<16xi32>
      tpu.vector_store_idx %arg9[%shift_right_logical3A_31, %and3A_32], %broadcast_in_dim3A_8 {add = true} : memref<80x128xf32, #tpu.memory_space<vmem>>[vector<16xi32>, vector<16xi32>], vector<16xf32>,
      %mul3A_33 = arith.constant 80 : i32
      %mul3A_34 = arith.muli %scan3A_19, %mul3A_33 : i32
      %add3A_35 = arith.constant 16 : i32
      %add3A_36 = arith.addi %mul3A_34, %add3A_35 : i32
      %get3A_37 = arith.index_cast %add3A_36 : i32 to index
      %get3A_38 = tpu.vector_load %arg6[%get3A_37] {strides = array<i32>} : memref<10000xi32, #tpu.memory_space<vmem>>, vector<16xi32>,
      %get3A_39 = arith.index_cast %add3A_36 : i32 to index
      %get3A_40 = tpu.vector_load %arg7[%get3A_39] {strides = array<i32>} : memref<10000xi32, #tpu.memory_space<vmem>>, vector<16xi32>,
      %shift_right_logical3A_41 = arith.constant 7 : i32
      %shift_right_logical3A_42 = vector.broadcast %shift_right_logical3A_41 : i32 to vector<16xi32>
      %shift_right_logical3A_43 = arith.shrui %get3A_38, %shift_right_logical3A_42 : vector<16xi32>
      %and3A_44 = arith.andi %get3A_38, %broadcast_in_dim3A_10 : vector<16xi32>
      tpu.vector_store_idx %arg8[%shift_right_logical3A_43, %and3A_44], %broadcast_in_dim3A_8 {add = true} : memref<80x128xf32, #tpu.memory_space<vmem>>[vector<16xi32>, vector<16xi32>], vector<16xf32>,
      %shift_right_logical3A_45 = arith.constant 7 : i32
      %shift_right_logical3A_46 = vector.broadcast %shift_right_logical3A_45 : i32 to vector<16xi32>
      %shift_right_logical3A_47 = arith.shrui %get3A_40, %shift_right_logical3A_46 : vector<16xi32>
      %and3A_48 = arith.andi %get3A_40, %broadcast_in_dim3A_10 : vector<16xi32>
      tpu.vector_store_idx %arg9[%shift_right_logical3A_47, %and3A_48], %broadcast_in_dim3A_8 {add = true} : memref<80x128xf32, #tpu.memory_space<vmem>>[vector<16xi32>, vector<16xi32>], vector<16xf32>,
      %mul3A_49 = arith.constant 80 : i32
      %mul3A_50 = arith.muli %scan3A_19, %mul3A_49 : i32
      %add3A_51 = arith.constant 32 : i32
      %add3A_52 = arith.addi %mul3A_50, %add3A_51 : i32
      %get3A_53 = arith.index_cast %add3A_52 : i32 to index
      %get3A_54 = tpu.vector_load %arg6[%get3A_53] {strides = array<i32>} : memref<10000xi32, #tpu.memory_space<vmem>>, vector<16xi32>,
      %get3A_55 = arith.index_cast %add3A_52 : i32 to index
      %get3A_56 = tpu.vector_load %arg7[%get3A_55] {strides = array<i32>} : memref<10000xi32, #tpu.memory_space<vmem>>, vector<16xi32>,
      %shift_right_logical3A_57 = arith.constant 7 : i32
      %shift_right_logical3A_58 = vector.broadcast %shift_right_logical3A_57 : i32 to vector<16xi32>
      %shift_right_logical3A_59 = arith.shrui %get3A_54, %shift_right_logical3A_58 : vector<16xi32>
      %and3A_60 = arith.andi %get3A_54, %broadcast_in_dim3A_10 : vector<16xi32>
      tpu.vector_store_idx %arg8[%shift_right_logical3A_59, %and3A_60], %broadcast_in_dim3A_8 {add = true} : memref<80x128xf32, #tpu.memory_space<vmem>>[vector<16xi32>, vector<16xi32>], vector<16xf32>,
      %shift_right_logical3A_61 = arith.constant 7 : i32
      %shift_right_logical3A_62 = vector.broadcast %shift_right_logical3A_61 : i32 to vector<16xi32>
      %shift_right_logical3A_63 = arith.shrui %get3A_56, %shift_right_logical3A_62 : vector<16xi32>
      %and3A_64 = arith.andi %get3A_56, %broadcast_in_dim3A_10 : vector<16xi32>
      tpu.vector_store_idx %arg9[%shift_right_logical3A_63, %and3A_64], %broadcast_in_dim3A_8 {add = true} : memref<80x128xf32, #tpu.memory_space<vmem>>[vector<16xi32>, vector<16xi32>], vector<16xf32>,
      %mul3A_65 = arith.constant 80 : i32
      %mul3A_66 = arith.muli %scan3A_19, %mul3A_65 : i32
      %add3A_67 = arith.constant 48 : i32
      %add3A_68 = arith.addi %mul3A_66, %add3A_67 : i32
      %get3A_69 = arith.index_cast %add3A_68 : i32 to index
      %get3A_70 = tpu.vector_load %arg6[%get3A_69] {strides = array<i32>} : memref<10000xi32, #tpu.memory_space<vmem>>, vector<16xi32>,
      %get3A_71 = arith.index_cast %add3A_68 : i32 to index
      %get3A_72 = tpu.vector_load %arg7[%get3A_71] {strides = array<i32>} : memref<10000xi32, #tpu.memory_space<vmem>>, vector<16xi32>,
      %shift_right_logical3A_73 = arith.constant 7 : i32
      %shift_right_logical3A_74 = vector.broadcast %shift_right_logical3A_73 : i32 to vector<16xi32>
      %shift_right_logical3A_75 = arith.shrui %get3A_70, %shift_right_logical3A_74 : vector<16xi32>
      %and3A_76 = arith.andi %get3A_70, %broadcast_in_dim3A_10 : vector<16xi32>
      tpu.vector_store_idx %arg8[%shift_right_logical3A_75, %and3A_76], %broadcast_in_dim3A_8 {add = true} : memref<80x128xf32, #tpu.memory_space<vmem>>[vector<16xi32>, vector<16xi32>], vector<16xf32>,
      %shift_right_logical3A_77 = arith.constant 7 : i32
      %shift_right_logical3A_78 = vector.broadcast %shift_right_logical3A_77 : i32 to vector<16xi32>
      %shift_right_logical3A_79 = arith.shrui %get3A_72, %shift_right_logical3A_78 : vector<16xi32>
      %and3A_80 = arith.andi %get3A_72, %broadcast_in_dim3A_10 : vector<16xi32>
      tpu.vector_store_idx %arg9[%shift_right_logical3A_79, %and3A_80], %broadcast_in_dim3A_8 {add = true} : memref<80x128xf32, #tpu.memory_space<vmem>>[vector<16xi32>, vector<16xi32>], vector<16xf32>,
      %mul3A_81 = arith.constant 80 : i32
      %mul3A_82 = arith.muli %scan3A_19, %mul3A_81 : i32
      %add3A_83 = arith.constant 64 : i32
      %add3A_84 = arith.addi %mul3A_82, %add3A_83 : i32
      %get3A_85 = arith.index_cast %add3A_84 : i32 to index
      %get3A_86 = tpu.vector_load %arg6[%get3A_85] {strides = array<i32>} : memref<10000xi32, #tpu.memory_space<vmem>>, vector<16xi32>,
      %get3A_87 = arith.index_cast %add3A_84 : i32 to index
      %get3A_88 = tpu.vector_load %arg7[%get3A_87] {strides = array<i32>} : memref<10000xi32, #tpu.memory_space<vmem>>, vector<16xi32>,
      %shift_right_logical3A_89 = arith.constant 7 : i32
      %shift_right_logical3A_90 = vector.broadcast %shift_right_logical3A_89 : i32 to vector<16xi32>
      %shift_right_logical3A_91 = arith.shrui %get3A_86, %shift_right_logical3A_90 : vector<16xi32>
      %and3A_92 = arith.andi %get3A_86, %broadcast_in_dim3A_10 : vector<16xi32>
      tpu.vector_store_idx %arg8[%shift_right_logical3A_91, %and3A_92], %broadcast_in_dim3A_8 {add = true} : memref<80x128xf32, #tpu.memory_space<vmem>>[vector<16xi32>, vector<16xi32>], vector<16xf32>,
      %shift_right_logical3A_93 = arith.constant 7 : i32
      %shift_right_logical3A_94 = vector.broadcast %shift_right_logical3A_93 : i32 to vector<16xi32>
      %shift_right_logical3A_95 = arith.shrui %get3A_88, %shift_right_logical3A_94 : vector<16xi32>
      %and3A_96 = arith.andi %get3A_88, %broadcast_in_dim3A_10 : vector<16xi32>
      tpu.vector_store_idx %arg9[%shift_right_logical3A_95, %and3A_96], %broadcast_in_dim3A_8 {add = true} : memref<80x128xf32, #tpu.memory_space<vmem>>[vector<16xi32>, vector<16xi32>], vector<16xf32>,
    }
    %scan3A_15 = arith.constant 125 : i32
    "tpu.region"() ({
      %run_scoped3A_19 = tpu.sem_alloc : memref<!tpu.dma_semaphore, #tpu.memory_space<semaphore_mem>>
      %dma_start3A = arith.constant 0 : i32
      %dma_start3A_20 = arith.constant 0 : i32
      %dma_start3A_21 = tpu.memref_slice %arg11[%dma_start3A, %dma_start3A_20] : memref<80x128xf32, #tpu.memory_space<vmem_shared>> -> memref<80x128xf32, #tpu.memory_space<vmem_shared>>
      tpu.enqueue_indirect_dma source(%arg8 : memref<80x128xf32, #tpu.memory_space<vmem>>) target(%dma_start3A_21 : memref<80x128xf32, #tpu.memory_space<vmem_shared>>) offsets(%arg10 : memref<80xi32, #tpu.memory_space<vmem>>) semaphore(%run_scoped3A_19 : memref<!tpu.dma_semaphore, #tpu.memory_space<semaphore_mem>>) {add = true}
      %dma_wait3A = arith.constant 0 : i32
      %dma_wait3A_22 = arith.constant 0 : i32
      %dma_wait3A_23 = tpu.memref_slice %arg11[%dma_wait3A, %dma_wait3A_22] : memref<80x128xf32, #tpu.memory_space<vmem_shared>> -> memref<80x128xf32, #tpu.memory_space<vmem_shared>>
      tpu.wait_indirect_dma semaphore(%run_scoped3A_19 : memref<!tpu.dma_semaphore, #tpu.memory_space<semaphore_mem>>) src(%arg8 : memref<80x128xf32, #tpu.memory_space<vmem>>) dst(%dma_wait3A_23 : memref<80x128xf32, #tpu.memory_space<vmem_shared>>)
      tpu.yield
    }) : () -> ()
    "tpu.region"() ({
      %run_scoped3A_19 = tpu.sem_alloc : memref<!tpu.dma_semaphore, #tpu.memory_space<semaphore_mem>>
      %dma_start3A = arith.constant 0 : i32
      %dma_start3A_20 = arith.constant 0 : i32
      %dma_start3A_21 = tpu.memref_slice %arg12[%dma_start3A, %dma_start3A_20] : memref<80x128xf32, #tpu.memory_space<vmem_shared>> -> memref<80x128xf32, #tpu.memory_space<vmem_shared>>
      tpu.enqueue_indirect_dma source(%arg9 : memref<80x128xf32, #tpu.memory_space<vmem>>) target(%dma_start3A_21 : memref<80x128xf32, #tpu.memory_space<vmem_shared>>) offsets(%arg10 : memref<80xi32, #tpu.memory_space<vmem>>) semaphore(%run_scoped3A_19 : memref<!tpu.dma_semaphore, #tpu.memory_space<semaphore_mem>>) {add = true}
      %dma_wait3A = arith.constant 0 : i32
      %dma_wait3A_22 = arith.constant 0 : i32
      %dma_wait3A_23 = tpu.memref_slice %arg12[%dma_wait3A, %dma_wait3A_22] : memref<80x128xf32, #tpu.memory_space<vmem_shared>> -> memref<80x128xf32, #tpu.memory_space<vmem_shared>>
      tpu.wait_indirect_dma semaphore(%run_scoped3A_19 : memref<!tpu.dma_semaphore, #tpu.memory_space<semaphore_mem>>) src(%arg9 : memref<80x128xf32, #tpu.memory_space<vmem>>) dst(%dma_wait3A_23 : memref<80x128xf32, #tpu.memory_space<vmem_shared>>)
      tpu.yield
    }) : () -> ()
    %barrier3A_16 = arith.constant 0 : index
    tpu.barrier barrier_id(%barrier3A_16)
    %run_scoped3A_17 = arith.constant 0 : i32
    "tpu.region"() ({
      %run_scoped3A_19 = tpu.sem_alloc : memref<!tpu.dma_semaphore, #tpu.memory_space<semaphore_mem>>
      %dma_start3A = arith.constant 0 : i32
      %dma_start3A_20 = tpu.memref_slice %arg5[%arg0, %run_scoped3A_17, %mul3A_7, %dma_start3A] : memref<2x2x80x128xf32, #tpu.memory_space<hbm>> -> memref<1x1x5x128xf32, #tpu.memory_space<hbm>>
      %dma_start3A_21 = tpu.memref_squeeze %dma_start3A_20 : memref<1x1x5x128xf32, #tpu.memory_space<hbm>> -> memref<5x128xf32, #tpu.memory_space<hbm>>
      %dma_start3A_22 = arith.constant 0 : i32
      %dma_start3A_23 = tpu.memref_slice %arg11[%mul3A_7, %dma_start3A_22] : memref<80x128xf32, #tpu.memory_space<vmem_shared>> -> memref<5x128xf32, #tpu.memory_space<vmem_shared>>
      tpu.enqueue_dma source(%dma_start3A_23 : memref<5x128xf32, #tpu.memory_space<vmem_shared>>) target(%dma_start3A_21 : memref<5x128xf32, #tpu.memory_space<hbm>>) target_semaphore(%run_scoped3A_19 : memref<!tpu.dma_semaphore, #tpu.memory_space<semaphore_mem>>)
      %dma_wait3A = arith.constant 0 : i32
      %dma_wait3A_24 = tpu.memref_slice %arg5[%arg0, %run_scoped3A_17, %mul3A_7, %dma_wait3A] : memref<2x2x80x128xf32, #tpu.memory_space<hbm>> -> memref<1x1x5x128xf32, #tpu.memory_space<hbm>>
      %dma_wait3A_25 = tpu.memref_squeeze %dma_wait3A_24 : memref<1x1x5x128xf32, #tpu.memory_space<hbm>> -> memref<5x128xf32, #tpu.memory_space<hbm>>
      %dma_wait3A_26 = arith.constant 0 : i32
      %dma_wait3A_27 = tpu.memref_slice %arg11[%mul3A_7, %dma_wait3A_26] : memref<80x128xf32, #tpu.memory_space<vmem_shared>> -> memref<5x128xf32, #tpu.memory_space<vmem_shared>>
      tpu.wait_dma2 semaphore(%run_scoped3A_19 : memref<!tpu.dma_semaphore, #tpu.memory_space<semaphore_mem>>) src(%dma_wait3A_27 : memref<5x128xf32, #tpu.memory_space<vmem_shared>>) dst(%dma_wait3A_25 : memref<5x128xf32, #tpu.memory_space<hbm>>)
      tpu.yield
    }) : () -> ()
    %run_scoped3A_18 = arith.constant 1 : i32
    "tpu.region"() ({
      %run_scoped3A_19 = tpu.sem_alloc : memref<!tpu.dma_semaphore, #tpu.memory_space<semaphore_mem>>
      %dma_start3A = arith.constant 0 : i32
      %dma_start3A_20 = tpu.memref_slice %arg5[%arg0, %run_scoped3A_18, %mul3A_7, %dma_start3A] : memref<2x2x80x128xf32, #tpu.memory_space<hbm>> -> memref<1x1x5x128xf32, #tpu.memory_space<hbm>>
      %dma_start3A_21 = tpu.memref_squeeze %dma_start3A_20 : memref<1x1x5x128xf32, #tpu.memory_space<hbm>> -> memref<5x128xf32, #tpu.memory_space<hbm>>
      %dma_start3A_22 = arith.constant 0 : i32
      %dma_start3A_23 = tpu.memref_slice %arg12[%mul3A_7, %dma_start3A_22] : memref<80x128xf32, #tpu.memory_space<vmem_shared>> -> memref<5x128xf32, #tpu.memory_space<vmem_shared>>
      tpu.enqueue_dma source(%dma_start3A_23 : memref<5x128xf32, #tpu.memory_space<vmem_shared>>) target(%dma_start3A_21 : memref<5x128xf32, #tpu.memory_space<hbm>>) target_semaphore(%run_scoped3A_19 : memref<!tpu.dma_semaphore, #tpu.memory_space<semaphore_mem>>)
      %dma_wait3A = arith.constant 0 : i32
      %dma_wait3A_24 = tpu.memref_slice %arg5[%arg0, %run_scoped3A_18, %mul3A_7, %dma_wait3A] : memref<2x2x80x128xf32, #tpu.memory_space<hbm>> -> memref<1x1x5x128xf32, #tpu.memory_space<hbm>>
      %dma_wait3A_25 = tpu.memref_squeeze %dma_wait3A_24 : memref<1x1x5x128xf32, #tpu.memory_space<hbm>> -> memref<5x128xf32, #tpu.memory_space<hbm>>
      %dma_wait3A_26 = arith.constant 0 : i32
      %dma_wait3A_27 = tpu.memref_slice %arg12[%mul3A_7, %dma_wait3A_26] : memref<80x128xf32, #tpu.memory_space<vmem_shared>> -> memref<5x128xf32, #tpu.memory_space<vmem_shared>>
      tpu.wait_dma2 semaphore(%run_scoped3A_19 : memref<!tpu.dma_semaphore, #tpu.memory_space<semaphore_mem>>) src(%dma_wait3A_27 : memref<5x128xf32, #tpu.memory_space<vmem_shared>>) dst(%dma_wait3A_25 : memref<5x128xf32, #tpu.memory_space<hbm>>)
      tpu.yield
    }) : () -> ()
    return
  }
}

#map = affine_map<(d0, d1) -> (0, 0)>
#map1 = affine_map<(d0, d1) -> (0)>
module attributes {stable_mosaic.version = 14 : i64} {
  func.func @_agg_kernel(%arg0: i32, %arg1: i32, %arg2: memref<20000x64xf32, #tpu.memory_space<hbm>>, %arg3: memref<10240xf32, #tpu.memory_space<hbm>>, %arg4: memref<320000xi32, #tpu.memory_space<hbm>>, %arg5: memref<2x320000xi32, #tpu.memory_space<hbm>>, %arg6: memref<640x64xf32, #tpu.memory_space<hbm>>, %arg7: memref<10240xf32, #tpu.memory_space<hbm>>, %arg8: memref<2x10240xi32, #tpu.memory_space<hbm>>, %arg9: memref<20480x64xf32, #tpu.memory_space<hbm>>, %arg10: memref<32x10240xf32, #tpu.memory_space<hbm>>, %arg11: memref<40000xi32, #tpu.memory_space<vmem>>, %arg12: memref<320x64xf32, #tpu.memory_space<vmem>>, %arg13: memref<20480xf32, #tpu.memory_space<vmem>>, %arg14: memref<640xi32, #tpu.memory_space<vmem>>, %arg15: memref<10240x64xf32, #tpu.memory_space<vmem_shared>>, %arg16: memref<!tpu.dma_semaphore, #tpu.memory_space<semaphore_mem>>, %arg17: memref<!tpu.dma_semaphore, #tpu.memory_space<semaphore_mem>>, %arg18: memref<!tpu.dma_semaphore, #tpu.memory_space<semaphore_mem>>, %arg19: memref<!tpu.dma_semaphore, #tpu.memory_space<semaphore_mem>>) attributes {dimension_semantics = [#tpu.dimension_semantics<core_parallel>, #tpu.dimension_semantics<subcore_parallel>], iteration_bounds = array<i64: 2, 16>, scalar_prefetch = 0 : i64, scratch_operands = 9 : i64, tpu.core_type = #tpu.core_type<sc_vector_subcore>, window_params = [{transform_indices = #map}, {transform_indices = #map1}, {transform_indices = #map1}, {transform_indices = #map}, {transform_indices = #map}, {transform_indices = #map1}, {transform_indices = #map}, {transform_indices = #map}, {transform_indices = #map}]} {
    %mul3A = arith.constant 16 : i32
    %mul3A_0 = arith.muli %arg0, %mul3A : i32
    %add3A = arith.addi %mul3A_0, %arg1 : i32
    %mul3A_1 = arith.constant 20000 : i32
    %mul3A_2 = arith.muli %arg1, %mul3A_1 : i32
    "tpu.region"() ({
      %run_scoped3A_187 = tpu.sem_alloc : memref<!tpu.dma_semaphore, #tpu.memory_space<semaphore_mem>>
      %dma_start3A_188 = arith.constant 0 : i32
      %dma_start3A_189 = tpu.memref_slice %arg11[%dma_start3A_188] : memref<40000xi32, #tpu.memory_space<vmem>> -> memref<20000xi32, #tpu.memory_space<vmem>>
      %dma_start3A_190 = tpu.memref_slice %arg4[%mul3A_2] : memref<320000xi32, #tpu.memory_space<hbm>> -> memref<20000xi32, #tpu.memory_space<hbm>>
      %dma_start3A_191 = arith.constant 0 : i32
      %dma_start3A_192 = tpu.memref_slice %arg11[%dma_start3A_191] : memref<40000xi32, #tpu.memory_space<vmem>> -> memref<20000xi32, #tpu.memory_space<vmem>>
      %dma_start3A_193 = tpu.memref_slice %arg4[%mul3A_2] : memref<320000xi32, #tpu.memory_space<hbm>> -> memref<20000xi32, #tpu.memory_space<hbm>>
      tpu.enqueue_dma source(%dma_start3A_193 : memref<20000xi32, #tpu.memory_space<hbm>>) target(%dma_start3A_192 : memref<20000xi32, #tpu.memory_space<vmem>>) target_semaphore(%run_scoped3A_187 : memref<!tpu.dma_semaphore, #tpu.memory_space<semaphore_mem>>)
      %dma_wait3A_194 = arith.constant 0 : i32
      %dma_wait3A_195 = tpu.memref_slice %arg11[%dma_wait3A_194] : memref<40000xi32, #tpu.memory_space<vmem>> -> memref<20000xi32, #tpu.memory_space<vmem>>
      %dma_wait3A_196 = tpu.memref_slice %arg4[%mul3A_2] : memref<320000xi32, #tpu.memory_space<hbm>> -> memref<20000xi32, #tpu.memory_space<hbm>>
      %dma_wait3A_197 = arith.constant 0 : i32
      %dma_wait3A_198 = tpu.memref_slice %arg11[%dma_wait3A_197] : memref<40000xi32, #tpu.memory_space<vmem>> -> memref<20000xi32, #tpu.memory_space<vmem>>
      %dma_wait3A_199 = tpu.memref_slice %arg4[%mul3A_2] : memref<320000xi32, #tpu.memory_space<hbm>> -> memref<20000xi32, #tpu.memory_space<hbm>>
      tpu.wait_dma2 semaphore(%run_scoped3A_187 : memref<!tpu.dma_semaphore, #tpu.memory_space<semaphore_mem>>) src(%dma_wait3A_199 : memref<20000xi32, #tpu.memory_space<hbm>>) dst(%dma_wait3A_198 : memref<20000xi32, #tpu.memory_space<vmem>>)
      tpu.yield
    }) : () -> ()
    %run_scoped3A = arith.constant 1 : i32
    "tpu.region"() ({
      %run_scoped3A_187 = tpu.sem_alloc : memref<!tpu.dma_semaphore, #tpu.memory_space<semaphore_mem>>
      %dma_start3A_188 = arith.constant 20000 : i32
      %dma_start3A_189 = tpu.memref_slice %arg11[%dma_start3A_188] : memref<40000xi32, #tpu.memory_space<vmem>> -> memref<20000xi32, #tpu.memory_space<vmem>>
      %dma_start3A_190 = tpu.memref_slice %arg5[%run_scoped3A, %mul3A_2] : memref<2x320000xi32, #tpu.memory_space<hbm>> -> memref<1x20000xi32, #tpu.memory_space<hbm>>
      %dma_start3A_191 = tpu.memref_squeeze %dma_start3A_190 : memref<1x20000xi32, #tpu.memory_space<hbm>> -> memref<20000xi32, #tpu.memory_space<hbm>>
      %dma_start3A_192 = arith.constant 20000 : i32
      %dma_start3A_193 = tpu.memref_slice %arg11[%dma_start3A_192] : memref<40000xi32, #tpu.memory_space<vmem>> -> memref<20000xi32, #tpu.memory_space<vmem>>
      %dma_start3A_194 = tpu.memref_slice %arg5[%run_scoped3A, %mul3A_2] : memref<2x320000xi32, #tpu.memory_space<hbm>> -> memref<1x20000xi32, #tpu.memory_space<hbm>>
      %dma_start3A_195 = tpu.memref_squeeze %dma_start3A_194 : memref<1x20000xi32, #tpu.memory_space<hbm>> -> memref<20000xi32, #tpu.memory_space<hbm>>
      tpu.enqueue_dma source(%dma_start3A_195 : memref<20000xi32, #tpu.memory_space<hbm>>) target(%dma_start3A_193 : memref<20000xi32, #tpu.memory_space<vmem>>) target_semaphore(%run_scoped3A_187 : memref<!tpu.dma_semaphore, #tpu.memory_space<semaphore_mem>>)
      %dma_wait3A_196 = arith.constant 20000 : i32
      %dma_wait3A_197 = tpu.memref_slice %arg11[%dma_wait3A_196] : memref<40000xi32, #tpu.memory_space<vmem>> -> memref<20000xi32, #tpu.memory_space<vmem>>
      %dma_wait3A_198 = tpu.memref_slice %arg5[%run_scoped3A, %mul3A_2] : memref<2x320000xi32, #tpu.memory_space<hbm>> -> memref<1x20000xi32, #tpu.memory_space<hbm>>
      %dma_wait3A_199 = tpu.memref_squeeze %dma_wait3A_198 : memref<1x20000xi32, #tpu.memory_space<hbm>> -> memref<20000xi32, #tpu.memory_space<hbm>>
      %dma_wait3A_200 = arith.constant 20000 : i32
      %dma_wait3A_201 = tpu.memref_slice %arg11[%dma_wait3A_200] : memref<40000xi32, #tpu.memory_space<vmem>> -> memref<20000xi32, #tpu.memory_space<vmem>>
      %dma_wait3A_202 = tpu.memref_slice %arg5[%run_scoped3A, %mul3A_2] : memref<2x320000xi32, #tpu.memory_space<hbm>> -> memref<1x20000xi32, #tpu.memory_space<hbm>>
      %dma_wait3A_203 = tpu.memref_squeeze %dma_wait3A_202 : memref<1x20000xi32, #tpu.memory_space<hbm>> -> memref<20000xi32, #tpu.memory_space<hbm>>
      tpu.wait_dma2 semaphore(%run_scoped3A_187 : memref<!tpu.dma_semaphore, #tpu.memory_space<semaphore_mem>>) src(%dma_wait3A_203 : memref<20000xi32, #tpu.memory_space<hbm>>) dst(%dma_wait3A_201 : memref<20000xi32, #tpu.memory_space<vmem>>)
      tpu.yield
    }) : () -> ()
    %mul3A_3 = arith.constant 640 : i32
    %mul3A_4 = arith.muli %arg1, %mul3A_3 : i32
    "tpu.region"() ({
      %run_scoped3A_187 = tpu.sem_alloc : memref<!tpu.dma_semaphore, #tpu.memory_space<semaphore_mem>>
      %dma_start3A_188 = tpu.memref_slice %arg8[%arg0, %mul3A_4] : memref<2x10240xi32, #tpu.memory_space<hbm>> -> memref<1x640xi32, #tpu.memory_space<hbm>>
      %dma_start3A_189 = tpu.memref_squeeze %dma_start3A_188 : memref<1x640xi32, #tpu.memory_space<hbm>> -> memref<640xi32, #tpu.memory_space<hbm>>
      %dma_start3A_190 = tpu.memref_slice %arg8[%arg0, %mul3A_4] : memref<2x10240xi32, #tpu.memory_space<hbm>> -> memref<1x640xi32, #tpu.memory_space<hbm>>
      %dma_start3A_191 = tpu.memref_squeeze %dma_start3A_190 : memref<1x640xi32, #tpu.memory_space<hbm>> -> memref<640xi32, #tpu.memory_space<hbm>>
      tpu.enqueue_dma source(%dma_start3A_191 : memref<640xi32, #tpu.memory_space<hbm>>) target(%arg14 : memref<640xi32, #tpu.memory_space<vmem>>) target_semaphore(%run_scoped3A_187 : memref<!tpu.dma_semaphore, #tpu.memory_space<semaphore_mem>>)
      %dma_wait3A_192 = tpu.memref_slice %arg8[%arg0, %mul3A_4] : memref<2x10240xi32, #tpu.memory_space<hbm>> -> memref<1x640xi32, #tpu.memory_space<hbm>>
      %dma_wait3A_193 = tpu.memref_squeeze %dma_wait3A_192 : memref<1x640xi32, #tpu.memory_space<hbm>> -> memref<640xi32, #tpu.memory_space<hbm>>
      %dma_wait3A_194 = tpu.memref_slice %arg8[%arg0, %mul3A_4] : memref<2x10240xi32, #tpu.memory_space<hbm>> -> memref<1x640xi32, #tpu.memory_space<hbm>>
      %dma_wait3A_195 = tpu.memref_squeeze %dma_wait3A_194 : memref<1x640xi32, #tpu.memory_space<hbm>> -> memref<640xi32, #tpu.memory_space<hbm>>
      tpu.wait_dma2 semaphore(%run_scoped3A_187 : memref<!tpu.dma_semaphore, #tpu.memory_space<semaphore_mem>>) src(%dma_wait3A_195 : memref<640xi32, #tpu.memory_space<hbm>>) dst(%arg14 : memref<640xi32, #tpu.memory_space<vmem>>)
      tpu.yield
    }) : () -> ()
    "tpu.region"() ({
      %run_scoped3A_187 = tpu.sem_alloc : memref<!tpu.dma_semaphore, #tpu.memory_space<semaphore_mem>>
      %dma_start3A_188 = arith.constant 0 : i32
      %dma_start3A_189 = tpu.memref_slice %arg13[%dma_start3A_188] : memref<20480xf32, #tpu.memory_space<vmem>> -> memref<10240xf32, #tpu.memory_space<vmem>>
      %dma_start3A_190 = arith.constant 0 : i32
      %dma_start3A_191 = tpu.memref_slice %arg13[%dma_start3A_190] : memref<20480xf32, #tpu.memory_space<vmem>> -> memref<10240xf32, #tpu.memory_space<vmem>>
      tpu.enqueue_dma source(%arg3 : memref<10240xf32, #tpu.memory_space<hbm>>) target(%dma_start3A_191 : memref<10240xf32, #tpu.memory_space<vmem>>) target_semaphore(%run_scoped3A_187 : memref<!tpu.dma_semaphore, #tpu.memory_space<semaphore_mem>>)
      %dma_wait3A_192 = arith.constant 0 : i32
      %dma_wait3A_193 = tpu.memref_slice %arg13[%dma_wait3A_192] : memref<20480xf32, #tpu.memory_space<vmem>> -> memref<10240xf32, #tpu.memory_space<vmem>>
      %dma_wait3A_194 = arith.constant 0 : i32
      %dma_wait3A_195 = tpu.memref_slice %arg13[%dma_wait3A_194] : memref<20480xf32, #tpu.memory_space<vmem>> -> memref<10240xf32, #tpu.memory_space<vmem>>
      tpu.wait_dma2 semaphore(%run_scoped3A_187 : memref<!tpu.dma_semaphore, #tpu.memory_space<semaphore_mem>>) src(%arg3 : memref<10240xf32, #tpu.memory_space<hbm>>) dst(%dma_wait3A_195 : memref<10240xf32, #tpu.memory_space<vmem>>)
      tpu.yield
    }) : () -> ()
    "tpu.region"() ({
      %run_scoped3A_187 = tpu.sem_alloc : memref<!tpu.dma_semaphore, #tpu.memory_space<semaphore_mem>>
      %dma_start3A_188 = arith.constant 10240 : i32
      %dma_start3A_189 = tpu.memref_slice %arg13[%dma_start3A_188] : memref<20480xf32, #tpu.memory_space<vmem>> -> memref<10240xf32, #tpu.memory_space<vmem>>
      %dma_start3A_190 = arith.constant 10240 : i32
      %dma_start3A_191 = tpu.memref_slice %arg13[%dma_start3A_190] : memref<20480xf32, #tpu.memory_space<vmem>> -> memref<10240xf32, #tpu.memory_space<vmem>>
      tpu.enqueue_dma source(%arg7 : memref<10240xf32, #tpu.memory_space<hbm>>) target(%dma_start3A_191 : memref<10240xf32, #tpu.memory_space<vmem>>) target_semaphore(%run_scoped3A_187 : memref<!tpu.dma_semaphore, #tpu.memory_space<semaphore_mem>>)
      %dma_wait3A_192 = arith.constant 10240 : i32
      %dma_wait3A_193 = tpu.memref_slice %arg13[%dma_wait3A_192] : memref<20480xf32, #tpu.memory_space<vmem>> -> memref<10240xf32, #tpu.memory_space<vmem>>
      %dma_wait3A_194 = arith.constant 10240 : i32
      %dma_wait3A_195 = tpu.memref_slice %arg13[%dma_wait3A_194] : memref<20480xf32, #tpu.memory_space<vmem>> -> memref<10240xf32, #tpu.memory_space<vmem>>
      tpu.wait_dma2 semaphore(%run_scoped3A_187 : memref<!tpu.dma_semaphore, #tpu.memory_space<semaphore_mem>>) src(%arg7 : memref<10240xf32, #tpu.memory_space<hbm>>) dst(%dma_wait3A_195 : memref<10240xf32, #tpu.memory_space<vmem>>)
      tpu.yield
    }) : () -> ()
    %mul3A_5 = arith.constant 640 : i32
    %mul3A_6 = arith.muli %arg1, %mul3A_5 : i32
    "tpu.region"() ({
      %run_scoped3A_187 = tpu.sem_alloc : memref<!tpu.dma_semaphore, #tpu.memory_space<semaphore_mem>>
      %dma_start3A_188 = arith.constant 0 : i32
      %dma_start3A_189 = tpu.memref_slice %arg15[%mul3A_6, %dma_start3A_188] : memref<10240x64xf32, #tpu.memory_space<vmem_shared>> -> memref<640x64xf32, #tpu.memory_space<vmem_shared>>
      tpu.enqueue_dma source(%arg6 : memref<640x64xf32, #tpu.memory_space<hbm>>) target(%dma_start3A_189 : memref<640x64xf32, #tpu.memory_space<vmem_shared>>) target_semaphore(%run_scoped3A_187 : memref<!tpu.dma_semaphore, #tpu.memory_space<semaphore_mem>>)
      %dma_wait3A_190 = arith.constant 0 : i32
      %dma_wait3A_191 = tpu.memref_slice %arg15[%mul3A_6, %dma_wait3A_190] : memref<10240x64xf32, #tpu.memory_space<vmem_shared>> -> memref<640x64xf32, #tpu.memory_space<vmem_shared>>
      tpu.wait_dma2 semaphore(%run_scoped3A_187 : memref<!tpu.dma_semaphore, #tpu.memory_space<semaphore_mem>>) src(%arg6 : memref<640x64xf32, #tpu.memory_space<hbm>>) dst(%dma_wait3A_191 : memref<640x64xf32, #tpu.memory_space<vmem_shared>>)
      tpu.yield
    }) : () -> ()
    %barrier3A = arith.constant 0 : index
    tpu.barrier barrier_id(%barrier3A)
    %broadcast_in_dim3A = arith.constant 10240 : i32
    %broadcast_in_dim3A_7 = vector.broadcast %broadcast_in_dim3A : i32 to vector<16xi32>
    %dma_start3A = arith.constant 0 : i32
    %dma_start3A_8 = arith.constant 0 : i32
    %dma_start3A_9 = tpu.memref_slice %arg12[%dma_start3A, %dma_start3A_8] : memref<320x64xf32, #tpu.memory_space<vmem>> -> memref<80x64xf32, #tpu.memory_space<vmem>>
    %dma_start3A_10 = arith.constant 0 : i32
    %dma_start3A_11 = tpu.memref_slice %arg11[%dma_start3A_10] : memref<40000xi32, #tpu.memory_space<vmem>> -> memref<80xi32, #tpu.memory_space<vmem>>
    %dma_start3A_12 = arith.constant 0 : i32
    %dma_start3A_13 = tpu.memref_slice %arg2[%arg0, %dma_start3A_12] : memref<20000x64xf32, #tpu.memory_space<hbm>> -> memref<19999x64xf32, #tpu.memory_space<hbm>>
    %dma_start3A_14 = arith.constant 0 : i32
    %dma_start3A_15 = arith.constant 0 : i32
    %dma_start3A_16 = tpu.memref_slice %dma_start3A_13[%dma_start3A_14, %dma_start3A_15] : memref<19999x64xf32, #tpu.memory_space<hbm>> -> memref<19999x64xf32, #tpu.memory_space<hbm>>
    tpu.enqueue_indirect_dma source(%dma_start3A_16 : memref<19999x64xf32, #tpu.memory_space<hbm>>) target(%dma_start3A_9 : memref<80x64xf32, #tpu.memory_space<vmem>>) offsets(%dma_start3A_11 : memref<80xi32, #tpu.memory_space<vmem>>) semaphore(%arg16 : memref<!tpu.dma_semaphore, #tpu.memory_space<semaphore_mem>>)
    %dma_start3A_17 = arith.constant 80 : i32
    %dma_start3A_18 = arith.constant 0 : i32
    %dma_start3A_19 = tpu.memref_slice %arg12[%dma_start3A_17, %dma_start3A_18] : memref<320x64xf32, #tpu.memory_space<vmem>> -> memref<80x64xf32, #tpu.memory_space<vmem>>
    %dma_start3A_20 = arith.constant 80 : i32
    %dma_start3A_21 = tpu.memref_slice %arg11[%dma_start3A_20] : memref<40000xi32, #tpu.memory_space<vmem>> -> memref<80xi32, #tpu.memory_space<vmem>>
    %dma_start3A_22 = arith.constant 0 : i32
    %dma_start3A_23 = tpu.memref_slice %arg2[%arg0, %dma_start3A_22] : memref<20000x64xf32, #tpu.memory_space<hbm>> -> memref<19999x64xf32, #tpu.memory_space<hbm>>
    %dma_start3A_24 = arith.constant 0 : i32
    %dma_start3A_25 = arith.constant 0 : i32
    %dma_start3A_26 = tpu.memref_slice %dma_start3A_23[%dma_start3A_24, %dma_start3A_25] : memref<19999x64xf32, #tpu.memory_space<hbm>> -> memref<19999x64xf32, #tpu.memory_space<hbm>>
    tpu.enqueue_indirect_dma source(%dma_start3A_26 : memref<19999x64xf32, #tpu.memory_space<hbm>>) target(%dma_start3A_19 : memref<80x64xf32, #tpu.memory_space<vmem>>) offsets(%dma_start3A_21 : memref<80xi32, #tpu.memory_space<vmem>>) semaphore(%arg16 : memref<!tpu.dma_semaphore, #tpu.memory_space<semaphore_mem>>)
    %scan3A = arith.constant 0 : i32
    %scan3A_27 = arith.constant 0 : i32
    %scan3A_28 = arith.constant 62 : i32
    %scan3A_29 = arith.addi %scan3A_27, %scan3A_28 : i32
    %scan3A_30 = arith.constant 1 : i32
    scf.for %scan3A_187 = %scan3A_27 to %scan3A_29 step %scan3A_30  : i32 {
      %mul3A_188 = arith.constant 2 : i32
      %mul3A_189 = arith.muli %mul3A_188, %scan3A_187 : i32
      %add3A_190 = arith.constant 1 : i32
      %add3A_191 = arith.addi %mul3A_189, %add3A_190 : i32
      %mul3A_192 = arith.constant 2 : i32
      %mul3A_193 = arith.muli %add3A_191, %mul3A_192 : i32
      %add3A_194 = arith.constant 0 : i32
      %add3A_195 = arith.addi %mul3A_193, %add3A_194 : i32
      %mul3A_196 = arith.constant 80 : i32
      %mul3A_197 = arith.muli %add3A_195, %mul3A_196 : i32
      %dma_start3A_198 = arith.constant 160 : i32
      %dma_start3A_199 = arith.constant 0 : i32
      %dma_start3A_200 = tpu.memref_slice %arg12[%dma_start3A_198, %dma_start3A_199] : memref<320x64xf32, #tpu.memory_space<vmem>> -> memref<80x64xf32, #tpu.memory_space<vmem>>
      %dma_start3A_201 = tpu.memref_slice %arg11[%mul3A_197] : memref<40000xi32, #tpu.memory_space<vmem>> -> memref<80xi32, #tpu.memory_space<vmem>>
      %dma_start3A_202 = arith.constant 0 : i32
      %dma_start3A_203 = tpu.memref_slice %arg2[%arg0, %dma_start3A_202] : memref<20000x64xf32, #tpu.memory_space<hbm>> -> memref<19999x64xf32, #tpu.memory_space<hbm>>
      %dma_start3A_204 = arith.constant 0 : i32
      %dma_start3A_205 = arith.constant 0 : i32
      %dma_start3A_206 = tpu.memref_slice %dma_start3A_203[%dma_start3A_204, %dma_start3A_205] : memref<19999x64xf32, #tpu.memory_space<hbm>> -> memref<19999x64xf32, #tpu.memory_space<hbm>>
      tpu.enqueue_indirect_dma source(%dma_start3A_206 : memref<19999x64xf32, #tpu.memory_space<hbm>>) target(%dma_start3A_200 : memref<80x64xf32, #tpu.memory_space<vmem>>) offsets(%dma_start3A_201 : memref<80xi32, #tpu.memory_space<vmem>>) semaphore(%arg17 : memref<!tpu.dma_semaphore, #tpu.memory_space<semaphore_mem>>)
      %mul3A_207 = arith.constant 2 : i32
      %mul3A_208 = arith.muli %add3A_191, %mul3A_207 : i32
      %add3A_209 = arith.constant 1 : i32
      %add3A_210 = arith.addi %mul3A_208, %add3A_209 : i32
      %mul3A_211 = arith.constant 80 : i32
      %mul3A_212 = arith.muli %add3A_210, %mul3A_211 : i32
      %dma_start3A_213 = arith.constant 240 : i32
      %dma_start3A_214 = arith.constant 0 : i32
      %dma_start3A_215 = tpu.memref_slice %arg12[%dma_start3A_213, %dma_start3A_214] : memref<320x64xf32, #tpu.memory_space<vmem>> -> memref<80x64xf32, #tpu.memory_space<vmem>>
      %dma_start3A_216 = tpu.memref_slice %arg11[%mul3A_212] : memref<40000xi32, #tpu.memory_space<vmem>> -> memref<80xi32, #tpu.memory_space<vmem>>
      %dma_start3A_217 = arith.constant 0 : i32
      %dma_start3A_218 = tpu.memref_slice %arg2[%arg0, %dma_start3A_217] : memref<20000x64xf32, #tpu.memory_space<hbm>> -> memref<19999x64xf32, #tpu.memory_space<hbm>>
      %dma_start3A_219 = arith.constant 0 : i32
      %dma_start3A_220 = arith.constant 0 : i32
      %dma_start3A_221 = tpu.memref_slice %dma_start3A_218[%dma_start3A_219, %dma_start3A_220] : memref<19999x64xf32, #tpu.memory_space<hbm>> -> memref<19999x64xf32, #tpu.memory_space<hbm>>
      tpu.enqueue_indirect_dma source(%dma_start3A_221 : memref<19999x64xf32, #tpu.memory_space<hbm>>) target(%dma_start3A_215 : memref<80x64xf32, #tpu.memory_space<vmem>>) offsets(%dma_start3A_216 : memref<80xi32, #tpu.memory_space<vmem>>) semaphore(%arg17 : memref<!tpu.dma_semaphore, #tpu.memory_space<semaphore_mem>>)
      %dma_wait3A_222 = arith.constant 0 : i32
      %dma_wait3A_223 = arith.constant 0 : i32
      %dma_wait3A_224 = tpu.memref_slice %arg12[%dma_wait3A_222, %dma_wait3A_223] : memref<320x64xf32, #tpu.memory_space<vmem>> -> memref<160x64xf32, #tpu.memory_space<vmem>>
      %dma_wait3A_225 = arith.constant 0 : i32
      %dma_wait3A_226 = tpu.memref_slice %arg2[%arg0, %dma_wait3A_225] : memref<20000x64xf32, #tpu.memory_space<hbm>> -> memref<19999x64xf32, #tpu.memory_space<hbm>>
      %dma_wait3A_227 = arith.constant 0 : i32
      %dma_wait3A_228 = arith.constant 0 : i32
      %dma_wait3A_229 = tpu.memref_slice %dma_wait3A_226[%dma_wait3A_227, %dma_wait3A_228] : memref<19999x64xf32, #tpu.memory_space<hbm>> -> memref<160x64xf32, #tpu.memory_space<hbm>>
      %dma_wait3A_230 = arith.constant 0 : i32
      %dma_wait3A_231 = arith.constant 0 : i32
      %dma_wait3A_232 = tpu.memref_slice %arg12[%dma_wait3A_230, %dma_wait3A_231] : memref<320x64xf32, #tpu.memory_space<vmem>> -> memref<160x64xf32, #tpu.memory_space<vmem>>
      %dma_wait3A_233 = arith.constant 0 : i32
      %dma_wait3A_234 = tpu.memref_slice %arg2[%arg0, %dma_wait3A_233] : memref<20000x64xf32, #tpu.memory_space<hbm>> -> memref<19999x64xf32, #tpu.memory_space<hbm>>
      %dma_wait3A_235 = arith.constant 0 : i32
      %dma_wait3A_236 = arith.constant 0 : i32
      %dma_wait3A_237 = tpu.memref_slice %dma_wait3A_234[%dma_wait3A_235, %dma_wait3A_236] : memref<19999x64xf32, #tpu.memory_space<hbm>> -> memref<160x64xf32, #tpu.memory_space<hbm>>
      tpu.wait_dma2 semaphore(%arg16 : memref<!tpu.dma_semaphore, #tpu.memory_space<semaphore_mem>>) src(%dma_wait3A_237 : memref<160x64xf32, #tpu.memory_space<hbm>>) dst(%dma_wait3A_232 : memref<160x64xf32, #tpu.memory_space<vmem>>)
      %mul3A_238 = arith.constant 2 : i32
      %mul3A_239 = arith.muli %mul3A_189, %mul3A_238 : i32
      %add3A_240 = arith.constant 0 : i32
      %add3A_241 = arith.addi %mul3A_239, %add3A_240 : i32
      %mul3A_242 = arith.constant 80 : i32
      %mul3A_243 = arith.muli %add3A_241, %mul3A_242 : i32
      %add3A_244 = arith.constant 20000 : i32
      %add3A_245 = arith.addi %add3A_244, %mul3A_243 : i32
      %dma_start3A_246 = arith.constant 0 : i32
      %dma_start3A_247 = arith.constant 0 : i32
      %dma_start3A_248 = tpu.memref_slice %arg12[%dma_start3A_246, %dma_start3A_247] : memref<320x64xf32, #tpu.memory_space<vmem>> -> memref<80x64xf32, #tpu.memory_space<vmem>>
      %dma_start3A_249 = tpu.memref_slice %arg11[%add3A_245] : memref<40000xi32, #tpu.memory_space<vmem>> -> memref<80xi32, #tpu.memory_space<vmem>>
      %dma_start3A_250 = arith.constant 0 : i32
      %dma_start3A_251 = arith.constant 0 : i32
      %dma_start3A_252 = tpu.memref_slice %arg15[%dma_start3A_250, %dma_start3A_251] : memref<10240x64xf32, #tpu.memory_space<vmem_shared>> -> memref<10240x64xf32, #tpu.memory_space<vmem_shared>>
      tpu.enqueue_indirect_dma source(%dma_start3A_248 : memref<80x64xf32, #tpu.memory_space<vmem>>) target(%dma_start3A_252 : memref<10240x64xf32, #tpu.memory_space<vmem_shared>>) offsets(%dma_start3A_249 : memref<80xi32, #tpu.memory_space<vmem>>) semaphore(%arg18 : memref<!tpu.dma_semaphore, #tpu.memory_space<semaphore_mem>>) {add = true}
      %mul3A_253 = arith.constant 2 : i32
      %mul3A_254 = arith.muli %mul3A_189, %mul3A_253 : i32
      %add3A_255 = arith.constant 1 : i32
      %add3A_256 = arith.addi %mul3A_254, %add3A_255 : i32
      %mul3A_257 = arith.constant 80 : i32
      %mul3A_258 = arith.muli %add3A_256, %mul3A_257 : i32
      %add3A_259 = arith.constant 20000 : i32
      %add3A_260 = arith.addi %add3A_259, %mul3A_258 : i32
      %dma_start3A_261 = arith.constant 80 : i32
      %dma_start3A_262 = arith.constant 0 : i32
      %dma_start3A_263 = tpu.memref_slice %arg12[%dma_start3A_261, %dma_start3A_262] : memref<320x64xf32, #tpu.memory_space<vmem>> -> memref<80x64xf32, #tpu.memory_space<vmem>>
      %dma_start3A_264 = tpu.memref_slice %arg11[%add3A_260] : memref<40000xi32, #tpu.memory_space<vmem>> -> memref<80xi32, #tpu.memory_space<vmem>>
      %dma_start3A_265 = arith.constant 0 : i32
      %dma_start3A_266 = arith.constant 0 : i32
      %dma_start3A_267 = tpu.memref_slice %arg15[%dma_start3A_265, %dma_start3A_266] : memref<10240x64xf32, #tpu.memory_space<vmem_shared>> -> memref<10240x64xf32, #tpu.memory_space<vmem_shared>>
      tpu.enqueue_indirect_dma source(%dma_start3A_263 : memref<80x64xf32, #tpu.memory_space<vmem>>) target(%dma_start3A_267 : memref<10240x64xf32, #tpu.memory_space<vmem_shared>>) offsets(%dma_start3A_264 : memref<80xi32, #tpu.memory_space<vmem>>) semaphore(%arg18 : memref<!tpu.dma_semaphore, #tpu.memory_space<semaphore_mem>>) {add = true}
      %mul3A_268 = arith.constant 2 : i32
      %mul3A_269 = arith.muli %mul3A_189, %mul3A_268 : i32
      %add3A_270 = arith.constant 0 : i32
      %add3A_271 = arith.addi %mul3A_269, %add3A_270 : i32
      %mul3A_272 = arith.constant 80 : i32
      %mul3A_273 = arith.muli %add3A_271, %mul3A_272 : i32
      %add3A_274 = arith.constant 20000 : i32
      %add3A_275 = arith.addi %add3A_274, %mul3A_273 : i32
      %add3A_276 = arith.constant 0 : i32
      %add3A_277 = arith.addi %add3A_275, %add3A_276 : i32
      %get3A_278 = arith.index_cast %add3A_277 : i32 to index
      %get3A_279 = tpu.vector_load %arg11[%get3A_278] {strides = array<i32>} : memref<40000xi32, #tpu.memory_space<vmem>>, vector<16xi32>,
      %gather3A_280 = tpu.vector_load_idx %arg13[%get3A_279] : memref<20480xf32, #tpu.memory_space<vmem>>[vector<16xi32>], vector<16xf32>,
      %mul3A_281 = arith.constant 80 : i32
      %mul3A_282 = arith.muli %add3A_271, %mul3A_281 : i32
      %add3A_283 = arith.constant 0 : i32
      %add3A_284 = arith.addi %mul3A_282, %add3A_283 : i32
      %get3A_285 = arith.index_cast %add3A_284 : i32 to index
      %get3A_286 = tpu.vector_load %arg11[%get3A_285] {strides = array<i32>} : memref<40000xi32, #tpu.memory_space<vmem>>, vector<16xi32>,
      %shift_right_logical3A_287 = arith.constant 1 : i32
      %shift_right_logical3A_288 = vector.broadcast %shift_right_logical3A_287 : i32 to vector<16xi32>
      %shift_right_logical3A_289 = arith.shrui %get3A_286, %shift_right_logical3A_288 : vector<16xi32>
      %add3A_290 = arith.addi %shift_right_logical3A_289, %broadcast_in_dim3A_7 : vector<16xi32>
      tpu.vector_store_idx %arg13[%add3A_290], %gather3A_280 {add = true} : memref<20480xf32, #tpu.memory_space<vmem>>[vector<16xi32>], vector<16xf32>,
      %mul3A_291 = arith.constant 80 : i32
      %mul3A_292 = arith.muli %add3A_271, %mul3A_291 : i32
      %add3A_293 = arith.constant 20000 : i32
      %add3A_294 = arith.addi %add3A_293, %mul3A_292 : i32
      %add3A_295 = arith.constant 16 : i32
      %add3A_296 = arith.addi %add3A_294, %add3A_295 : i32
      %get3A_297 = arith.index_cast %add3A_296 : i32 to index
      %get3A_298 = tpu.vector_load %arg11[%get3A_297] {strides = array<i32>} : memref<40000xi32, #tpu.memory_space<vmem>>, vector<16xi32>,
      %gather3A_299 = tpu.vector_load_idx %arg13[%get3A_298] : memref<20480xf32, #tpu.memory_space<vmem>>[vector<16xi32>], vector<16xf32>,
      %mul3A_300 = arith.constant 80 : i32
      %mul3A_301 = arith.muli %add3A_271, %mul3A_300 : i32
      %add3A_302 = arith.constant 16 : i32
      %add3A_303 = arith.addi %mul3A_301, %add3A_302 : i32
      %get3A_304 = arith.index_cast %add3A_303 : i32 to index
      %get3A_305 = tpu.vector_load %arg11[%get3A_304] {strides = array<i32>} : memref<40000xi32, #tpu.memory_space<vmem>>, vector<16xi32>,
      %shift_right_logical3A_306 = arith.constant 1 : i32
      %shift_right_logical3A_307 = vector.broadcast %shift_right_logical3A_306 : i32 to vector<16xi32>
      %shift_right_logical3A_308 = arith.shrui %get3A_305, %shift_right_logical3A_307 : vector<16xi32>
      %add3A_309 = arith.addi %shift_right_logical3A_308, %broadcast_in_dim3A_7 : vector<16xi32>
      tpu.vector_store_idx %arg13[%add3A_309], %gather3A_299 {add = true} : memref<20480xf32, #tpu.memory_space<vmem>>[vector<16xi32>], vector<16xf32>,
      %mul3A_310 = arith.constant 80 : i32
      %mul3A_311 = arith.muli %add3A_271, %mul3A_310 : i32
      %add3A_312 = arith.constant 20000 : i32
      %add3A_313 = arith.addi %add3A_312, %mul3A_311 : i32
      %add3A_314 = arith.constant 32 : i32
      %add3A_315 = arith.addi %add3A_313, %add3A_314 : i32
      %get3A_316 = arith.index_cast %add3A_315 : i32 to index
      %get3A_317 = tpu.vector_load %arg11[%get3A_316] {strides = array<i32>} : memref<40000xi32, #tpu.memory_space<vmem>>, vector<16xi32>,
      %gather3A_318 = tpu.vector_load_idx %arg13[%get3A_317] : memref<20480xf32, #tpu.memory_space<vmem>>[vector<16xi32>], vector<16xf32>,
      %mul3A_319 = arith.constant 80 : i32
      %mul3A_320 = arith.muli %add3A_271, %mul3A_319 : i32
      %add3A_321 = arith.constant 32 : i32
      %add3A_322 = arith.addi %mul3A_320, %add3A_321 : i32
      %get3A_323 = arith.index_cast %add3A_322 : i32 to index
      %get3A_324 = tpu.vector_load %arg11[%get3A_323] {strides = array<i32>} : memref<40000xi32, #tpu.memory_space<vmem>>, vector<16xi32>,
      %shift_right_logical3A_325 = arith.constant 1 : i32
      %shift_right_logical3A_326 = vector.broadcast %shift_right_logical3A_325 : i32 to vector<16xi32>
      %shift_right_logical3A_327 = arith.shrui %get3A_324, %shift_right_logical3A_326 : vector<16xi32>
      %add3A_328 = arith.addi %shift_right_logical3A_327, %broadcast_in_dim3A_7 : vector<16xi32>
      tpu.vector_store_idx %arg13[%add3A_328], %gather3A_318 {add = true} : memref<20480xf32, #tpu.memory_space<vmem>>[vector<16xi32>], vector<16xf32>,
      %mul3A_329 = arith.constant 80 : i32
      %mul3A_330 = arith.muli %add3A_271, %mul3A_329 : i32
      %add3A_331 = arith.constant 20000 : i32
      %add3A_332 = arith.addi %add3A_331, %mul3A_330 : i32
      %add3A_333 = arith.constant 48 : i32
      %add3A_334 = arith.addi %add3A_332, %add3A_333 : i32
      %get3A_335 = arith.index_cast %add3A_334 : i32 to index
      %get3A_336 = tpu.vector_load %arg11[%get3A_335] {strides = array<i32>} : memref<40000xi32, #tpu.memory_space<vmem>>, vector<16xi32>,
      %gather3A_337 = tpu.vector_load_idx %arg13[%get3A_336] : memref<20480xf32, #tpu.memory_space<vmem>>[vector<16xi32>], vector<16xf32>,
      %mul3A_338 = arith.constant 80 : i32
      %mul3A_339 = arith.muli %add3A_271, %mul3A_338 : i32
      %add3A_340 = arith.constant 48 : i32
      %add3A_341 = arith.addi %mul3A_339, %add3A_340 : i32
      %get3A_342 = arith.index_cast %add3A_341 : i32 to index
      %get3A_343 = tpu.vector_load %arg11[%get3A_342] {strides = array<i32>} : memref<40000xi32, #tpu.memory_space<vmem>>, vector<16xi32>,
      %shift_right_logical3A_344 = arith.constant 1 : i32
      %shift_right_logical3A_345 = vector.broadcast %shift_right_logical3A_344 : i32 to vector<16xi32>
      %shift_right_logical3A_346 = arith.shrui %get3A_343, %shift_right_logical3A_345 : vector<16xi32>
      %add3A_347 = arith.addi %shift_right_logical3A_346, %broadcast_in_dim3A_7 : vector<16xi32>
      tpu.vector_store_idx %arg13[%add3A_347], %gather3A_337 {add = true} : memref<20480xf32, #tpu.memory_space<vmem>>[vector<16xi32>], vector<16xf32>,
      %mul3A_348 = arith.constant 80 : i32
      %mul3A_349 = arith.muli %add3A_271, %mul3A_348 : i32
      %add3A_350 = arith.constant 20000 : i32
      %add3A_351 = arith.addi %add3A_350, %mul3A_349 : i32
      %add3A_352 = arith.constant 64 : i32
      %add3A_353 = arith.addi %add3A_351, %add3A_352 : i32
      %get3A_354 = arith.index_cast %add3A_353 : i32 to index
      %get3A_355 = tpu.vector_load %arg11[%get3A_354] {strides = array<i32>} : memref<40000xi32, #tpu.memory_space<vmem>>, vector<16xi32>,
      %gather3A_356 = tpu.vector_load_idx %arg13[%get3A_355] : memref<20480xf32, #tpu.memory_space<vmem>>[vector<16xi32>], vector<16xf32>,
      %mul3A_357 = arith.constant 80 : i32
      %mul3A_358 = arith.muli %add3A_271, %mul3A_357 : i32
      %add3A_359 = arith.constant 64 : i32
      %add3A_360 = arith.addi %mul3A_358, %add3A_359 : i32
      %get3A_361 = arith.index_cast %add3A_360 : i32 to index
      %get3A_362 = tpu.vector_load %arg11[%get3A_361] {strides = array<i32>} : memref<40000xi32, #tpu.memory_space<vmem>>, vector<16xi32>,
      %shift_right_logical3A_363 = arith.constant 1 : i32
      %shift_right_logical3A_364 = vector.broadcast %shift_right_logical3A_363 : i32 to vector<16xi32>
      %shift_right_logical3A_365 = arith.shrui %get3A_362, %shift_right_logical3A_364 : vector<16xi32>
      %add3A_366 = arith.addi %shift_right_logical3A_365, %broadcast_in_dim3A_7 : vector<16xi32>
      tpu.vector_store_idx %arg13[%add3A_366], %gather3A_356 {add = true} : memref<20480xf32, #tpu.memory_space<vmem>>[vector<16xi32>], vector<16xf32>,
      %mul3A_367 = arith.constant 2 : i32
      %mul3A_368 = arith.muli %mul3A_189, %mul3A_367 : i32
      %add3A_369 = arith.constant 1 : i32
      %add3A_370 = arith.addi %mul3A_368, %add3A_369 : i32
      %mul3A_371 = arith.constant 80 : i32
      %mul3A_372 = arith.muli %add3A_370, %mul3A_371 : i32
      %add3A_373 = arith.constant 20000 : i32
      %add3A_374 = arith.addi %add3A_373, %mul3A_372 : i32
      %add3A_375 = arith.constant 0 : i32
      %add3A_376 = arith.addi %add3A_374, %add3A_375 : i32
      %get3A_377 = arith.index_cast %add3A_376 : i32 to index
      %get3A_378 = tpu.vector_load %arg11[%get3A_377] {strides = array<i32>} : memref<40000xi32, #tpu.memory_space<vmem>>, vector<16xi32>,
      %gather3A_379 = tpu.vector_load_idx %arg13[%get3A_378] : memref<20480xf32, #tpu.memory_space<vmem>>[vector<16xi32>], vector<16xf32>,
      %mul3A_380 = arith.constant 80 : i32
      %mul3A_381 = arith.muli %add3A_370, %mul3A_380 : i32
      %add3A_382 = arith.constant 0 : i32
      %add3A_383 = arith.addi %mul3A_381, %add3A_382 : i32
      %get3A_384 = arith.index_cast %add3A_383 : i32 to index
      %get3A_385 = tpu.vector_load %arg11[%get3A_384] {strides = array<i32>} : memref<40000xi32, #tpu.memory_space<vmem>>, vector<16xi32>,
      %shift_right_logical3A_386 = arith.constant 1 : i32
      %shift_right_logical3A_387 = vector.broadcast %shift_right_logical3A_386 : i32 to vector<16xi32>
      %shift_right_logical3A_388 = arith.shrui %get3A_385, %shift_right_logical3A_387 : vector<16xi32>
      %add3A_389 = arith.addi %shift_right_logical3A_388, %broadcast_in_dim3A_7 : vector<16xi32>
      tpu.vector_store_idx %arg13[%add3A_389], %gather3A_379 {add = true} : memref<20480xf32, #tpu.memory_space<vmem>>[vector<16xi32>], vector<16xf32>,
      %mul3A_390 = arith.constant 80 : i32
      %mul3A_391 = arith.muli %add3A_370, %mul3A_390 : i32
      %add3A_392 = arith.constant 20000 : i32
      %add3A_393 = arith.addi %add3A_392, %mul3A_391 : i32
      %add3A_394 = arith.constant 16 : i32
      %add3A_395 = arith.addi %add3A_393, %add3A_394 : i32
      %get3A_396 = arith.index_cast %add3A_395 : i32 to index
      %get3A_397 = tpu.vector_load %arg11[%get3A_396] {strides = array<i32>} : memref<40000xi32, #tpu.memory_space<vmem>>, vector<16xi32>,
      %gather3A_398 = tpu.vector_load_idx %arg13[%get3A_397] : memref<20480xf32, #tpu.memory_space<vmem>>[vector<16xi32>], vector<16xf32>,
      %mul3A_399 = arith.constant 80 : i32
      %mul3A_400 = arith.muli %add3A_370, %mul3A_399 : i32
      %add3A_401 = arith.constant 16 : i32
      %add3A_402 = arith.addi %mul3A_400, %add3A_401 : i32
      %get3A_403 = arith.index_cast %add3A_402 : i32 to index
      %get3A_404 = tpu.vector_load %arg11[%get3A_403] {strides = array<i32>} : memref<40000xi32, #tpu.memory_space<vmem>>, vector<16xi32>,
      %shift_right_logical3A_405 = arith.constant 1 : i32
      %shift_right_logical3A_406 = vector.broadcast %shift_right_logical3A_405 : i32 to vector<16xi32>
      %shift_right_logical3A_407 = arith.shrui %get3A_404, %shift_right_logical3A_406 : vector<16xi32>
      %add3A_408 = arith.addi %shift_right_logical3A_407, %broadcast_in_dim3A_7 : vector<16xi32>
      tpu.vector_store_idx %arg13[%add3A_408], %gather3A_398 {add = true} : memref<20480xf32, #tpu.memory_space<vmem>>[vector<16xi32>], vector<16xf32>,
      %mul3A_409 = arith.constant 80 : i32
      %mul3A_410 = arith.muli %add3A_370, %mul3A_409 : i32
      %add3A_411 = arith.constant 20000 : i32
      %add3A_412 = arith.addi %add3A_411, %mul3A_410 : i32
      %add3A_413 = arith.constant 32 : i32
      %add3A_414 = arith.addi %add3A_412, %add3A_413 : i32
      %get3A_415 = arith.index_cast %add3A_414 : i32 to index
      %get3A_416 = tpu.vector_load %arg11[%get3A_415] {strides = array<i32>} : memref<40000xi32, #tpu.memory_space<vmem>>, vector<16xi32>,
      %gather3A_417 = tpu.vector_load_idx %arg13[%get3A_416] : memref<20480xf32, #tpu.memory_space<vmem>>[vector<16xi32>], vector<16xf32>,
      %mul3A_418 = arith.constant 80 : i32
      %mul3A_419 = arith.muli %add3A_370, %mul3A_418 : i32
      %add3A_420 = arith.constant 32 : i32
      %add3A_421 = arith.addi %mul3A_419, %add3A_420 : i32
      %get3A_422 = arith.index_cast %add3A_421 : i32 to index
      %get3A_423 = tpu.vector_load %arg11[%get3A_422] {strides = array<i32>} : memref<40000xi32, #tpu.memory_space<vmem>>, vector<16xi32>,
      %shift_right_logical3A_424 = arith.constant 1 : i32
      %shift_right_logical3A_425 = vector.broadcast %shift_right_logical3A_424 : i32 to vector<16xi32>
      %shift_right_logical3A_426 = arith.shrui %get3A_423, %shift_right_logical3A_425 : vector<16xi32>
      %add3A_427 = arith.addi %shift_right_logical3A_426, %broadcast_in_dim3A_7 : vector<16xi32>
      tpu.vector_store_idx %arg13[%add3A_427], %gather3A_417 {add = true} : memref<20480xf32, #tpu.memory_space<vmem>>[vector<16xi32>], vector<16xf32>,
      %mul3A_428 = arith.constant 80 : i32
      %mul3A_429 = arith.muli %add3A_370, %mul3A_428 : i32
      %add3A_430 = arith.constant 20000 : i32
      %add3A_431 = arith.addi %add3A_430, %mul3A_429 : i32
      %add3A_432 = arith.constant 48 : i32
      %add3A_433 = arith.addi %add3A_431, %add3A_432 : i32
      %get3A_434 = arith.index_cast %add3A_433 : i32 to index
      %get3A_435 = tpu.vector_load %arg11[%get3A_434] {strides = array<i32>} : memref<40000xi32, #tpu.memory_space<vmem>>, vector<16xi32>,
      %gather3A_436 = tpu.vector_load_idx %arg13[%get3A_435] : memref<20480xf32, #tpu.memory_space<vmem>>[vector<16xi32>], vector<16xf32>,
      %mul3A_437 = arith.constant 80 : i32
      %mul3A_438 = arith.muli %add3A_370, %mul3A_437 : i32
      %add3A_439 = arith.constant 48 : i32
      %add3A_440 = arith.addi %mul3A_438, %add3A_439 : i32
      %get3A_441 = arith.index_cast %add3A_440 : i32 to index
      %get3A_442 = tpu.vector_load %arg11[%get3A_441] {strides = array<i32>} : memref<40000xi32, #tpu.memory_space<vmem>>, vector<16xi32>,
      %shift_right_logical3A_443 = arith.constant 1 : i32
      %shift_right_logical3A_444 = vector.broadcast %shift_right_logical3A_443 : i32 to vector<16xi32>
      %shift_right_logical3A_445 = arith.shrui %get3A_442, %shift_right_logical3A_444 : vector<16xi32>
      %add3A_446 = arith.addi %shift_right_logical3A_445, %broadcast_in_dim3A_7 : vector<16xi32>
      tpu.vector_store_idx %arg13[%add3A_446], %gather3A_436 {add = true} : memref<20480xf32, #tpu.memory_space<vmem>>[vector<16xi32>], vector<16xf32>,
      %mul3A_447 = arith.constant 80 : i32
      %mul3A_448 = arith.muli %add3A_370, %mul3A_447 : i32
      %add3A_449 = arith.constant 20000 : i32
      %add3A_450 = arith.addi %add3A_449, %mul3A_448 : i32
      %add3A_451 = arith.constant 64 : i32
      %add3A_452 = arith.addi %add3A_450, %add3A_451 : i32
      %get3A_453 = arith.index_cast %add3A_452 : i32 to index
      %get3A_454 = tpu.vector_load %arg11[%get3A_453] {strides = array<i32>} : memref<40000xi32, #tpu.memory_space<vmem>>, vector<16xi32>,
      %gather3A_455 = tpu.vector_load_idx %arg13[%get3A_454] : memref<20480xf32, #tpu.memory_space<vmem>>[vector<16xi32>], vector<16xf32>,
      %mul3A_456 = arith.constant 80 : i32
      %mul3A_457 = arith.muli %add3A_370, %mul3A_456 : i32
      %add3A_458 = arith.constant 64 : i32
      %add3A_459 = arith.addi %mul3A_457, %add3A_458 : i32
      %get3A_460 = arith.index_cast %add3A_459 : i32 to index
      %get3A_461 = tpu.vector_load %arg11[%get3A_460] {strides = array<i32>} : memref<40000xi32, #tpu.memory_space<vmem>>, vector<16xi32>,
      %shift_right_logical3A_462 = arith.constant 1 : i32
      %shift_right_logical3A_463 = vector.broadcast %shift_right_logical3A_462 : i32 to vector<16xi32>
      %shift_right_logical3A_464 = arith.shrui %get3A_461, %shift_right_logical3A_463 : vector<16xi32>
      %add3A_465 = arith.addi %shift_right_logical3A_464, %broadcast_in_dim3A_7 : vector<16xi32>
      tpu.vector_store_idx %arg13[%add3A_465], %gather3A_455 {add = true} : memref<20480xf32, #tpu.memory_space<vmem>>[vector<16xi32>], vector<16xf32>,
      %dma_wait3A_466 = arith.constant 0 : i32
      %dma_wait3A_467 = arith.constant 0 : i32
      %dma_wait3A_468 = tpu.memref_slice %arg12[%dma_wait3A_466, %dma_wait3A_467] : memref<320x64xf32, #tpu.memory_space<vmem>> -> memref<160x64xf32, #tpu.memory_space<vmem>>
      %dma_wait3A_469 = arith.constant 0 : i32
      %dma_wait3A_470 = tpu.memref_slice %arg2[%arg0, %dma_wait3A_469] : memref<20000x64xf32, #tpu.memory_space<hbm>> -> memref<19999x64xf32, #tpu.memory_space<hbm>>
      %dma_wait3A_471 = arith.constant 0 : i32
      %dma_wait3A_472 = arith.constant 0 : i32
      %dma_wait3A_473 = tpu.memref_slice %dma_wait3A_470[%dma_wait3A_471, %dma_wait3A_472] : memref<19999x64xf32, #tpu.memory_space<hbm>> -> memref<160x64xf32, #tpu.memory_space<hbm>>
      %dma_wait3A_474 = arith.constant 0 : i32
      %dma_wait3A_475 = arith.constant 0 : i32
      %dma_wait3A_476 = tpu.memref_slice %arg12[%dma_wait3A_474, %dma_wait3A_475] : memref<320x64xf32, #tpu.memory_space<vmem>> -> memref<160x64xf32, #tpu.memory_space<vmem>>
      %dma_wait3A_477 = arith.constant 0 : i32
      %dma_wait3A_478 = tpu.memref_slice %arg2[%arg0, %dma_wait3A_477] : memref<20000x64xf32, #tpu.memory_space<hbm>> -> memref<19999x64xf32, #tpu.memory_space<hbm>>
      %dma_wait3A_479 = arith.constant 0 : i32
      %dma_wait3A_480 = arith.constant 0 : i32
      %dma_wait3A_481 = tpu.memref_slice %dma_wait3A_478[%dma_wait3A_479, %dma_wait3A_480] : memref<19999x64xf32, #tpu.memory_space<hbm>> -> memref<160x64xf32, #tpu.memory_space<hbm>>
      tpu.wait_dma2 semaphore(%arg18 : memref<!tpu.dma_semaphore, #tpu.memory_space<semaphore_mem>>) src(%dma_wait3A_481 : memref<160x64xf32, #tpu.memory_space<hbm>>) dst(%dma_wait3A_476 : memref<160x64xf32, #tpu.memory_space<vmem>>)
      %add3A_482 = arith.constant 2 : i32
      %add3A_483 = arith.addi %mul3A_189, %add3A_482 : i32
      %mul3A_484 = arith.constant 2 : i32
      %mul3A_485 = arith.muli %add3A_483, %mul3A_484 : i32
      %add3A_486 = arith.constant 0 : i32
      %add3A_487 = arith.addi %mul3A_485, %add3A_486 : i32
      %mul3A_488 = arith.constant 80 : i32
      %mul3A_489 = arith.muli %add3A_487, %mul3A_488 : i32
      %dma_start3A_490 = arith.constant 0 : i32
      %dma_start3A_491 = arith.constant 0 : i32
      %dma_start3A_492 = tpu.memref_slice %arg12[%dma_start3A_490, %dma_start3A_491] : memref<320x64xf32, #tpu.memory_space<vmem>> -> memref<80x64xf32, #tpu.memory_space<vmem>>
      %dma_start3A_493 = tpu.memref_slice %arg11[%mul3A_489] : memref<40000xi32, #tpu.memory_space<vmem>> -> memref<80xi32, #tpu.memory_space<vmem>>
      %dma_start3A_494 = arith.constant 0 : i32
      %dma_start3A_495 = tpu.memref_slice %arg2[%arg0, %dma_start3A_494] : memref<20000x64xf32, #tpu.memory_space<hbm>> -> memref<19999x64xf32, #tpu.memory_space<hbm>>
      %dma_start3A_496 = arith.constant 0 : i32
      %dma_start3A_497 = arith.constant 0 : i32
      %dma_start3A_498 = tpu.memref_slice %dma_start3A_495[%dma_start3A_496, %dma_start3A_497] : memref<19999x64xf32, #tpu.memory_space<hbm>> -> memref<19999x64xf32, #tpu.memory_space<hbm>>
      tpu.enqueue_indirect_dma source(%dma_start3A_498 : memref<19999x64xf32, #tpu.memory_space<hbm>>) target(%dma_start3A_492 : memref<80x64xf32, #tpu.memory_space<vmem>>) offsets(%dma_start3A_493 : memref<80xi32, #tpu.memory_space<vmem>>) semaphore(%arg16 : memref<!tpu.dma_semaphore, #tpu.memory_space<semaphore_mem>>)
      %mul3A_499 = arith.constant 2 : i32
      %mul3A_500 = arith.muli %add3A_483, %mul3A_499 : i32
      %add3A_501 = arith.constant 1 : i32
      %add3A_502 = arith.addi %mul3A_500, %add3A_501 : i32
      %mul3A_503 = arith.constant 80 : i32
      %mul3A_504 = arith.muli %add3A_502, %mul3A_503 : i32
      %dma_start3A_505 = arith.constant 80 : i32
      %dma_start3A_506 = arith.constant 0 : i32
      %dma_start3A_507 = tpu.memref_slice %arg12[%dma_start3A_505, %dma_start3A_506] : memref<320x64xf32, #tpu.memory_space<vmem>> -> memref<80x64xf32, #tpu.memory_space<vmem>>
      %dma_start3A_508 = tpu.memref_slice %arg11[%mul3A_504] : memref<40000xi32, #tpu.memory_space<vmem>> -> memref<80xi32, #tpu.memory_space<vmem>>
      %dma_start3A_509 = arith.constant 0 : i32
      %dma_start3A_510 = tpu.memref_slice %arg2[%arg0, %dma_start3A_509] : memref<20000x64xf32, #tpu.memory_space<hbm>> -> memref<19999x64xf32, #tpu.memory_space<hbm>>
      %dma_start3A_511 = arith.constant 0 : i32
      %dma_start3A_512 = arith.constant 0 : i32
      %dma_start3A_513 = tpu.memref_slice %dma_start3A_510[%dma_start3A_511, %dma_start3A_512] : memref<19999x64xf32, #tpu.memory_space<hbm>> -> memref<19999x64xf32, #tpu.memory_space<hbm>>
      tpu.enqueue_indirect_dma source(%dma_start3A_513 : memref<19999x64xf32, #tpu.memory_space<hbm>>) target(%dma_start3A_507 : memref<80x64xf32, #tpu.memory_space<vmem>>) offsets(%dma_start3A_508 : memref<80xi32, #tpu.memory_space<vmem>>) semaphore(%arg16 : memref<!tpu.dma_semaphore, #tpu.memory_space<semaphore_mem>>)
      %dma_wait3A_514 = arith.constant 160 : i32
      %dma_wait3A_515 = arith.constant 0 : i32
      %dma_wait3A_516 = tpu.memref_slice %arg12[%dma_wait3A_514, %dma_wait3A_515] : memref<320x64xf32, #tpu.memory_space<vmem>> -> memref<160x64xf32, #tpu.memory_space<vmem>>
      %dma_wait3A_517 = arith.constant 0 : i32
      %dma_wait3A_518 = tpu.memref_slice %arg2[%arg0, %dma_wait3A_517] : memref<20000x64xf32, #tpu.memory_space<hbm>> -> memref<19999x64xf32, #tpu.memory_space<hbm>>
      %dma_wait3A_519 = arith.constant 0 : i32
      %dma_wait3A_520 = arith.constant 0 : i32
      %dma_wait3A_521 = tpu.memref_slice %dma_wait3A_518[%dma_wait3A_519, %dma_wait3A_520] : memref<19999x64xf32, #tpu.memory_space<hbm>> -> memref<160x64xf32, #tpu.memory_space<hbm>>
      %dma_wait3A_522 = arith.constant 160 : i32
      %dma_wait3A_523 = arith.constant 0 : i32
      %dma_wait3A_524 = tpu.memref_slice %arg12[%dma_wait3A_522, %dma_wait3A_523] : memref<320x64xf32, #tpu.memory_space<vmem>> -> memref<160x64xf32, #tpu.memory_space<vmem>>
      %dma_wait3A_525 = arith.constant 0 : i32
      %dma_wait3A_526 = tpu.memref_slice %arg2[%arg0, %dma_wait3A_525] : memref<20000x64xf32, #tpu.memory_space<hbm>> -> memref<19999x64xf32, #tpu.memory_space<hbm>>
      %dma_wait3A_527 = arith.constant 0 : i32
      %dma_wait3A_528 = arith.constant 0 : i32
      %dma_wait3A_529 = tpu.memref_slice %dma_wait3A_526[%dma_wait3A_527, %dma_wait3A_528] : memref<19999x64xf32, #tpu.memory_space<hbm>> -> memref<160x64xf32, #tpu.memory_space<hbm>>
      tpu.wait_dma2 semaphore(%arg17 : memref<!tpu.dma_semaphore, #tpu.memory_space<semaphore_mem>>) src(%dma_wait3A_529 : memref<160x64xf32, #tpu.memory_space<hbm>>) dst(%dma_wait3A_524 : memref<160x64xf32, #tpu.memory_space<vmem>>)
      %add3A_530 = arith.constant 1 : i32
      %add3A_531 = arith.addi %mul3A_189, %add3A_530 : i32
      %mul3A_532 = arith.constant 2 : i32
      %mul3A_533 = arith.muli %add3A_531, %mul3A_532 : i32
      %add3A_534 = arith.constant 0 : i32
      %add3A_535 = arith.addi %mul3A_533, %add3A_534 : i32
      %mul3A_536 = arith.constant 80 : i32
      %mul3A_537 = arith.muli %add3A_535, %mul3A_536 : i32
      %add3A_538 = arith.constant 20000 : i32
      %add3A_539 = arith.addi %add3A_538, %mul3A_537 : i32
      %dma_start3A_540 = arith.constant 160 : i32
      %dma_start3A_541 = arith.constant 0 : i32
      %dma_start3A_542 = tpu.memref_slice %arg12[%dma_start3A_540, %dma_start3A_541] : memref<320x64xf32, #tpu.memory_space<vmem>> -> memref<80x64xf32, #tpu.memory_space<vmem>>
      %dma_start3A_543 = tpu.memref_slice %arg11[%add3A_539] : memref<40000xi32, #tpu.memory_space<vmem>> -> memref<80xi32, #tpu.memory_space<vmem>>
      %dma_start3A_544 = arith.constant 0 : i32
      %dma_start3A_545 = arith.constant 0 : i32
      %dma_start3A_546 = tpu.memref_slice %arg15[%dma_start3A_544, %dma_start3A_545] : memref<10240x64xf32, #tpu.memory_space<vmem_shared>> -> memref<10240x64xf32, #tpu.memory_space<vmem_shared>>
      tpu.enqueue_indirect_dma source(%dma_start3A_542 : memref<80x64xf32, #tpu.memory_space<vmem>>) target(%dma_start3A_546 : memref<10240x64xf32, #tpu.memory_space<vmem_shared>>) offsets(%dma_start3A_543 : memref<80xi32, #tpu.memory_space<vmem>>) semaphore(%arg19 : memref<!tpu.dma_semaphore, #tpu.memory_space<semaphore_mem>>) {add = true}
      %mul3A_547 = arith.constant 2 : i32
      %mul3A_548 = arith.muli %add3A_531, %mul3A_547 : i32
      %add3A_549 = arith.constant 1 : i32
      %add3A_550 = arith.addi %mul3A_548, %add3A_549 : i32
      %mul3A_551 = arith.constant 80 : i32
      %mul3A_552 = arith.muli %add3A_550, %mul3A_551 : i32
      %add3A_553 = arith.constant 20000 : i32
      %add3A_554 = arith.addi %add3A_553, %mul3A_552 : i32
      %dma_start3A_555 = arith.constant 240 : i32
      %dma_start3A_556 = arith.constant 0 : i32
      %dma_start3A_557 = tpu.memref_slice %arg12[%dma_start3A_555, %dma_start3A_556] : memref<320x64xf32, #tpu.memory_space<vmem>> -> memref<80x64xf32, #tpu.memory_space<vmem>>
      %dma_start3A_558 = tpu.memref_slice %arg11[%add3A_554] : memref<40000xi32, #tpu.memory_space<vmem>> -> memref<80xi32, #tpu.memory_space<vmem>>
      %dma_start3A_559 = arith.constant 0 : i32
      %dma_start3A_560 = arith.constant 0 : i32
      %dma_start3A_561 = tpu.memref_slice %arg15[%dma_start3A_559, %dma_start3A_560] : memref<10240x64xf32, #tpu.memory_space<vmem_shared>> -> memref<10240x64xf32, #tpu.memory_space<vmem_shared>>
      tpu.enqueue_indirect_dma source(%dma_start3A_557 : memref<80x64xf32, #tpu.memory_space<vmem>>) target(%dma_start3A_561 : memref<10240x64xf32, #tpu.memory_space<vmem_shared>>) offsets(%dma_start3A_558 : memref<80xi32, #tpu.memory_space<vmem>>) semaphore(%arg19 : memref<!tpu.dma_semaphore, #tpu.memory_space<semaphore_mem>>) {add = true}
      %add3A_562 = arith.constant 1 : i32
      %add3A_563 = arith.addi %mul3A_189, %add3A_562 : i32
      %mul3A_564 = arith.constant 2 : i32
      %mul3A_565 = arith.muli %add3A_563, %mul3A_564 : i32
      %add3A_566 = arith.constant 0 : i32
      %add3A_567 = arith.addi %mul3A_565, %add3A_566 : i32
      %mul3A_568 = arith.constant 80 : i32
      %mul3A_569 = arith.muli %add3A_567, %mul3A_568 : i32
      %add3A_570 = arith.constant 20000 : i32
      %add3A_571 = arith.addi %add3A_570, %mul3A_569 : i32
      %add3A_572 = arith.constant 0 : i32
      %add3A_573 = arith.addi %add3A_571, %add3A_572 : i32
      %get3A_574 = arith.index_cast %add3A_573 : i32 to index
      %get3A_575 = tpu.vector_load %arg11[%get3A_574] {strides = array<i32>} : memref<40000xi32, #tpu.memory_space<vmem>>, vector<16xi32>,
      %gather3A_576 = tpu.vector_load_idx %arg13[%get3A_575] : memref<20480xf32, #tpu.memory_space<vmem>>[vector<16xi32>], vector<16xf32>,
      %mul3A_577 = arith.constant 80 : i32
      %mul3A_578 = arith.muli %add3A_567, %mul3A_577 : i32
      %add3A_579 = arith.constant 0 : i32
      %add3A_580 = arith.addi %mul3A_578, %add3A_579 : i32
      %get3A_581 = arith.index_cast %add3A_580 : i32 to index
      %get3A_582 = tpu.vector_load %arg11[%get3A_581] {strides = array<i32>} : memref<40000xi32, #tpu.memory_space<vmem>>, vector<16xi32>,
      %shift_right_logical3A_583 = arith.constant 1 : i32
      %shift_right_logical3A_584 = vector.broadcast %shift_right_logical3A_583 : i32 to vector<16xi32>
      %shift_right_logical3A_585 = arith.shrui %get3A_582, %shift_right_logical3A_584 : vector<16xi32>
      %add3A_586 = arith.addi %shift_right_logical3A_585, %broadcast_in_dim3A_7 : vector<16xi32>
      tpu.vector_store_idx %arg13[%add3A_586], %gather3A_576 {add = true} : memref<20480xf32, #tpu.memory_space<vmem>>[vector<16xi32>], vector<16xf32>,
      %mul3A_587 = arith.constant 80 : i32
      %mul3A_588 = arith.muli %add3A_567, %mul3A_587 : i32
      %add3A_589 = arith.constant 20000 : i32
      %add3A_590 = arith.addi %add3A_589, %mul3A_588 : i32
      %add3A_591 = arith.constant 16 : i32
      %add3A_592 = arith.addi %add3A_590, %add3A_591 : i32
      %get3A_593 = arith.index_cast %add3A_592 : i32 to index
      %get3A_594 = tpu.vector_load %arg11[%get3A_593] {strides = array<i32>} : memref<40000xi32, #tpu.memory_space<vmem>>, vector<16xi32>,
      %gather3A_595 = tpu.vector_load_idx %arg13[%get3A_594] : memref<20480xf32, #tpu.memory_space<vmem>>[vector<16xi32>], vector<16xf32>,
      %mul3A_596 = arith.constant 80 : i32
      %mul3A_597 = arith.muli %add3A_567, %mul3A_596 : i32
      %add3A_598 = arith.constant 16 : i32
      %add3A_599 = arith.addi %mul3A_597, %add3A_598 : i32
      %get3A_600 = arith.index_cast %add3A_599 : i32 to index
      %get3A_601 = tpu.vector_load %arg11[%get3A_600] {strides = array<i32>} : memref<40000xi32, #tpu.memory_space<vmem>>, vector<16xi32>,
      %shift_right_logical3A_602 = arith.constant 1 : i32
      %shift_right_logical3A_603 = vector.broadcast %shift_right_logical3A_602 : i32 to vector<16xi32>
      %shift_right_logical3A_604 = arith.shrui %get3A_601, %shift_right_logical3A_603 : vector<16xi32>
      %add3A_605 = arith.addi %shift_right_logical3A_604, %broadcast_in_dim3A_7 : vector<16xi32>
      tpu.vector_store_idx %arg13[%add3A_605], %gather3A_595 {add = true} : memref<20480xf32, #tpu.memory_space<vmem>>[vector<16xi32>], vector<16xf32>,
      %mul3A_606 = arith.constant 80 : i32
      %mul3A_607 = arith.muli %add3A_567, %mul3A_606 : i32
      %add3A_608 = arith.constant 20000 : i32
      %add3A_609 = arith.addi %add3A_608, %mul3A_607 : i32
      %add3A_610 = arith.constant 32 : i32
      %add3A_611 = arith.addi %add3A_609, %add3A_610 : i32
      %get3A_612 = arith.index_cast %add3A_611 : i32 to index
      %get3A_613 = tpu.vector_load %arg11[%get3A_612] {strides = array<i32>} : memref<40000xi32, #tpu.memory_space<vmem>>, vector<16xi32>,
      %gather3A_614 = tpu.vector_load_idx %arg13[%get3A_613] : memref<20480xf32, #tpu.memory_space<vmem>>[vector<16xi32>], vector<16xf32>,
      %mul3A_615 = arith.constant 80 : i32
      %mul3A_616 = arith.muli %add3A_567, %mul3A_615 : i32
      %add3A_617 = arith.constant 32 : i32
      %add3A_618 = arith.addi %mul3A_616, %add3A_617 : i32
      %get3A_619 = arith.index_cast %add3A_618 : i32 to index
      %get3A_620 = tpu.vector_load %arg11[%get3A_619] {strides = array<i32>} : memref<40000xi32, #tpu.memory_space<vmem>>, vector<16xi32>,
      %shift_right_logical3A_621 = arith.constant 1 : i32
      %shift_right_logical3A_622 = vector.broadcast %shift_right_logical3A_621 : i32 to vector<16xi32>
      %shift_right_logical3A_623 = arith.shrui %get3A_620, %shift_right_logical3A_622 : vector<16xi32>
      %add3A_624 = arith.addi %shift_right_logical3A_623, %broadcast_in_dim3A_7 : vector<16xi32>
      tpu.vector_store_idx %arg13[%add3A_624], %gather3A_614 {add = true} : memref<20480xf32, #tpu.memory_space<vmem>>[vector<16xi32>], vector<16xf32>,
      %mul3A_625 = arith.constant 80 : i32
      %mul3A_626 = arith.muli %add3A_567, %mul3A_625 : i32
      %add3A_627 = arith.constant 20000 : i32
      %add3A_628 = arith.addi %add3A_627, %mul3A_626 : i32
      %add3A_629 = arith.constant 48 : i32
      %add3A_630 = arith.addi %add3A_628, %add3A_629 : i32
      %get3A_631 = arith.index_cast %add3A_630 : i32 to index
      %get3A_632 = tpu.vector_load %arg11[%get3A_631] {strides = array<i32>} : memref<40000xi32, #tpu.memory_space<vmem>>, vector<16xi32>,
      %gather3A_633 = tpu.vector_load_idx %arg13[%get3A_632] : memref<20480xf32, #tpu.memory_space<vmem>>[vector<16xi32>], vector<16xf32>,
      %mul3A_634 = arith.constant 80 : i32
      %mul3A_635 = arith.muli %add3A_567, %mul3A_634 : i32
      %add3A_636 = arith.constant 48 : i32
      %add3A_637 = arith.addi %mul3A_635, %add3A_636 : i32
      %get3A_638 = arith.index_cast %add3A_637 : i32 to index
      %get3A_639 = tpu.vector_load %arg11[%get3A_638] {strides = array<i32>} : memref<40000xi32, #tpu.memory_space<vmem>>, vector<16xi32>,
      %shift_right_logical3A_640 = arith.constant 1 : i32
      %shift_right_logical3A_641 = vector.broadcast %shift_right_logical3A_640 : i32 to vector<16xi32>
      %shift_right_logical3A_642 = arith.shrui %get3A_639, %shift_right_logical3A_641 : vector<16xi32>
      %add3A_643 = arith.addi %shift_right_logical3A_642, %broadcast_in_dim3A_7 : vector<16xi32>
      tpu.vector_store_idx %arg13[%add3A_643], %gather3A_633 {add = true} : memref<20480xf32, #tpu.memory_space<vmem>>[vector<16xi32>], vector<16xf32>,
      %mul3A_644 = arith.constant 80 : i32
      %mul3A_645 = arith.muli %add3A_567, %mul3A_644 : i32
      %add3A_646 = arith.constant 20000 : i32
      %add3A_647 = arith.addi %add3A_646, %mul3A_645 : i32
      %add3A_648 = arith.constant 64 : i32
      %add3A_649 = arith.addi %add3A_647, %add3A_648 : i32
      %get3A_650 = arith.index_cast %add3A_649 : i32 to index
      %get3A_651 = tpu.vector_load %arg11[%get3A_650] {strides = array<i32>} : memref<40000xi32, #tpu.memory_space<vmem>>, vector<16xi32>,
      %gather3A_652 = tpu.vector_load_idx %arg13[%get3A_651] : memref<20480xf32, #tpu.memory_space<vmem>>[vector<16xi32>], vector<16xf32>,
      %mul3A_653 = arith.constant 80 : i32
      %mul3A_654 = arith.muli %add3A_567, %mul3A_653 : i32
      %add3A_655 = arith.constant 64 : i32
      %add3A_656 = arith.addi %mul3A_654, %add3A_655 : i32
      %get3A_657 = arith.index_cast %add3A_656 : i32 to index
      %get3A_658 = tpu.vector_load %arg11[%get3A_657] {strides = array<i32>} : memref<40000xi32, #tpu.memory_space<vmem>>, vector<16xi32>,
      %shift_right_logical3A_659 = arith.constant 1 : i32
      %shift_right_logical3A_660 = vector.broadcast %shift_right_logical3A_659 : i32 to vector<16xi32>
      %shift_right_logical3A_661 = arith.shrui %get3A_658, %shift_right_logical3A_660 : vector<16xi32>
      %add3A_662 = arith.addi %shift_right_logical3A_661, %broadcast_in_dim3A_7 : vector<16xi32>
      tpu.vector_store_idx %arg13[%add3A_662], %gather3A_652 {add = true} : memref<20480xf32, #tpu.memory_space<vmem>>[vector<16xi32>], vector<16xf32>,
      %mul3A_663 = arith.constant 2 : i32
      %mul3A_664 = arith.muli %add3A_563, %mul3A_663 : i32
      %add3A_665 = arith.constant 1 : i32
      %add3A_666 = arith.addi %mul3A_664, %add3A_665 : i32
      %mul3A_667 = arith.constant 80 : i32
      %mul3A_668 = arith.muli %add3A_666, %mul3A_667 : i32
      %add3A_669 = arith.constant 20000 : i32
      %add3A_670 = arith.addi %add3A_669, %mul3A_668 : i32
      %add3A_671 = arith.constant 0 : i32
      %add3A_672 = arith.addi %add3A_670, %add3A_671 : i32
      %get3A_673 = arith.index_cast %add3A_672 : i32 to index
      %get3A_674 = tpu.vector_load %arg11[%get3A_673] {strides = array<i32>} : memref<40000xi32, #tpu.memory_space<vmem>>, vector<16xi32>,
      %gather3A_675 = tpu.vector_load_idx %arg13[%get3A_674] : memref<20480xf32, #tpu.memory_space<vmem>>[vector<16xi32>], vector<16xf32>,
      %mul3A_676 = arith.constant 80 : i32
      %mul3A_677 = arith.muli %add3A_666, %mul3A_676 : i32
      %add3A_678 = arith.constant 0 : i32
      %add3A_679 = arith.addi %mul3A_677, %add3A_678 : i32
      %get3A_680 = arith.index_cast %add3A_679 : i32 to index
      %get3A_681 = tpu.vector_load %arg11[%get3A_680] {strides = array<i32>} : memref<40000xi32, #tpu.memory_space<vmem>>, vector<16xi32>,
      %shift_right_logical3A_682 = arith.constant 1 : i32
      %shift_right_logical3A_683 = vector.broadcast %shift_right_logical3A_682 : i32 to vector<16xi32>
      %shift_right_logical3A_684 = arith.shrui %get3A_681, %shift_right_logical3A_683 : vector<16xi32>
      %add3A_685 = arith.addi %shift_right_logical3A_684, %broadcast_in_dim3A_7 : vector<16xi32>
      tpu.vector_store_idx %arg13[%add3A_685], %gather3A_675 {add = true} : memref<20480xf32, #tpu.memory_space<vmem>>[vector<16xi32>], vector<16xf32>,
      %mul3A_686 = arith.constant 80 : i32
      %mul3A_687 = arith.muli %add3A_666, %mul3A_686 : i32
      %add3A_688 = arith.constant 20000 : i32
      %add3A_689 = arith.addi %add3A_688, %mul3A_687 : i32
      %add3A_690 = arith.constant 16 : i32
      %add3A_691 = arith.addi %add3A_689, %add3A_690 : i32
      %get3A_692 = arith.index_cast %add3A_691 : i32 to index
      %get3A_693 = tpu.vector_load %arg11[%get3A_692] {strides = array<i32>} : memref<40000xi32, #tpu.memory_space<vmem>>, vector<16xi32>,
      %gather3A_694 = tpu.vector_load_idx %arg13[%get3A_693] : memref<20480xf32, #tpu.memory_space<vmem>>[vector<16xi32>], vector<16xf32>,
      %mul3A_695 = arith.constant 80 : i32
      %mul3A_696 = arith.muli %add3A_666, %mul3A_695 : i32
      %add3A_697 = arith.constant 16 : i32
      %add3A_698 = arith.addi %mul3A_696, %add3A_697 : i32
      %get3A_699 = arith.index_cast %add3A_698 : i32 to index
      %get3A_700 = tpu.vector_load %arg11[%get3A_699] {strides = array<i32>} : memref<40000xi32, #tpu.memory_space<vmem>>, vector<16xi32>,
      %shift_right_logical3A_701 = arith.constant 1 : i32
      %shift_right_logical3A_702 = vector.broadcast %shift_right_logical3A_701 : i32 to vector<16xi32>
      %shift_right_logical3A_703 = arith.shrui %get3A_700, %shift_right_logical3A_702 : vector<16xi32>
      %add3A_704 = arith.addi %shift_right_logical3A_703, %broadcast_in_dim3A_7 : vector<16xi32>
      tpu.vector_store_idx %arg13[%add3A_704], %gather3A_694 {add = true} : memref<20480xf32, #tpu.memory_space<vmem>>[vector<16xi32>], vector<16xf32>,
      %mul3A_705 = arith.constant 80 : i32
      %mul3A_706 = arith.muli %add3A_666, %mul3A_705 : i32
      %add3A_707 = arith.constant 20000 : i32
      %add3A_708 = arith.addi %add3A_707, %mul3A_706 : i32
      %add3A_709 = arith.constant 32 : i32
      %add3A_710 = arith.addi %add3A_708, %add3A_709 : i32
      %get3A_711 = arith.index_cast %add3A_710 : i32 to index
      %get3A_712 = tpu.vector_load %arg11[%get3A_711] {strides = array<i32>} : memref<40000xi32, #tpu.memory_space<vmem>>, vector<16xi32>,
      %gather3A_713 = tpu.vector_load_idx %arg13[%get3A_712] : memref<20480xf32, #tpu.memory_space<vmem>>[vector<16xi32>], vector<16xf32>,
      %mul3A_714 = arith.constant 80 : i32
      %mul3A_715 = arith.muli %add3A_666, %mul3A_714 : i32
      %add3A_716 = arith.constant 32 : i32
      %add3A_717 = arith.addi %mul3A_715, %add3A_716 : i32
      %get3A_718 = arith.index_cast %add3A_717 : i32 to index
      %get3A_719 = tpu.vector_load %arg11[%get3A_718] {strides = array<i32>} : memref<40000xi32, #tpu.memory_space<vmem>>, vector<16xi32>,
      %shift_right_logical3A_720 = arith.constant 1 : i32
      %shift_right_logical3A_721 = vector.broadcast %shift_right_logical3A_720 : i32 to vector<16xi32>
      %shift_right_logical3A_722 = arith.shrui %get3A_719, %shift_right_logical3A_721 : vector<16xi32>
      %add3A_723 = arith.addi %shift_right_logical3A_722, %broadcast_in_dim3A_7 : vector<16xi32>
      tpu.vector_store_idx %arg13[%add3A_723], %gather3A_713 {add = true} : memref<20480xf32, #tpu.memory_space<vmem>>[vector<16xi32>], vector<16xf32>,
      %mul3A_724 = arith.constant 80 : i32
      %mul3A_725 = arith.muli %add3A_666, %mul3A_724 : i32
      %add3A_726 = arith.constant 20000 : i32
      %add3A_727 = arith.addi %add3A_726, %mul3A_725 : i32
      %add3A_728 = arith.constant 48 : i32
      %add3A_729 = arith.addi %add3A_727, %add3A_728 : i32
      %get3A_730 = arith.index_cast %add3A_729 : i32 to index
      %get3A_731 = tpu.vector_load %arg11[%get3A_730] {strides = array<i32>} : memref<40000xi32, #tpu.memory_space<vmem>>, vector<16xi32>,
      %gather3A_732 = tpu.vector_load_idx %arg13[%get3A_731] : memref<20480xf32, #tpu.memory_space<vmem>>[vector<16xi32>], vector<16xf32>,
      %mul3A_733 = arith.constant 80 : i32
      %mul3A_734 = arith.muli %add3A_666, %mul3A_733 : i32
      %add3A_735 = arith.constant 48 : i32
      %add3A_736 = arith.addi %mul3A_734, %add3A_735 : i32
      %get3A_737 = arith.index_cast %add3A_736 : i32 to index
      %get3A_738 = tpu.vector_load %arg11[%get3A_737] {strides = array<i32>} : memref<40000xi32, #tpu.memory_space<vmem>>, vector<16xi32>,
      %shift_right_logical3A_739 = arith.constant 1 : i32
      %shift_right_logical3A_740 = vector.broadcast %shift_right_logical3A_739 : i32 to vector<16xi32>
      %shift_right_logical3A_741 = arith.shrui %get3A_738, %shift_right_logical3A_740 : vector<16xi32>
      %add3A_742 = arith.addi %shift_right_logical3A_741, %broadcast_in_dim3A_7 : vector<16xi32>
      tpu.vector_store_idx %arg13[%add3A_742], %gather3A_732 {add = true} : memref<20480xf32, #tpu.memory_space<vmem>>[vector<16xi32>], vector<16xf32>,
      %mul3A_743 = arith.constant 80 : i32
      %mul3A_744 = arith.muli %add3A_666, %mul3A_743 : i32
      %add3A_745 = arith.constant 20000 : i32
      %add3A_746 = arith.addi %add3A_745, %mul3A_744 : i32
      %add3A_747 = arith.constant 64 : i32
      %add3A_748 = arith.addi %add3A_746, %add3A_747 : i32
      %get3A_749 = arith.index_cast %add3A_748 : i32 to index
      %get3A_750 = tpu.vector_load %arg11[%get3A_749] {strides = array<i32>} : memref<40000xi32, #tpu.memory_space<vmem>>, vector<16xi32>,
      %gather3A_751 = tpu.vector_load_idx %arg13[%get3A_750] : memref<20480xf32, #tpu.memory_space<vmem>>[vector<16xi32>], vector<16xf32>,
      %mul3A_752 = arith.constant 80 : i32
      %mul3A_753 = arith.muli %add3A_666, %mul3A_752 : i32
      %add3A_754 = arith.constant 64 : i32
      %add3A_755 = arith.addi %mul3A_753, %add3A_754 : i32
      %get3A_756 = arith.index_cast %add3A_755 : i32 to index
      %get3A_757 = tpu.vector_load %arg11[%get3A_756] {strides = array<i32>} : memref<40000xi32, #tpu.memory_space<vmem>>, vector<16xi32>,
      %shift_right_logical3A_758 = arith.constant 1 : i32
      %shift_right_logical3A_759 = vector.broadcast %shift_right_logical3A_758 : i32 to vector<16xi32>
      %shift_right_logical3A_760 = arith.shrui %get3A_757, %shift_right_logical3A_759 : vector<16xi32>
      %add3A_761 = arith.addi %shift_right_logical3A_760, %broadcast_in_dim3A_7 : vector<16xi32>
      tpu.vector_store_idx %arg13[%add3A_761], %gather3A_751 {add = true} : memref<20480xf32, #tpu.memory_space<vmem>>[vector<16xi32>], vector<16xf32>,
      %dma_wait3A_762 = arith.constant 160 : i32
      %dma_wait3A_763 = arith.constant 0 : i32
      %dma_wait3A_764 = tpu.memref_slice %arg12[%dma_wait3A_762, %dma_wait3A_763] : memref<320x64xf32, #tpu.memory_space<vmem>> -> memref<160x64xf32, #tpu.memory_space<vmem>>
      %dma_wait3A_765 = arith.constant 0 : i32
      %dma_wait3A_766 = tpu.memref_slice %arg2[%arg0, %dma_wait3A_765] : memref<20000x64xf32, #tpu.memory_space<hbm>> -> memref<19999x64xf32, #tpu.memory_space<hbm>>
      %dma_wait3A_767 = arith.constant 0 : i32
      %dma_wait3A_768 = arith.constant 0 : i32
      %dma_wait3A_769 = tpu.memref_slice %dma_wait3A_766[%dma_wait3A_767, %dma_wait3A_768] : memref<19999x64xf32, #tpu.memory_space<hbm>> -> memref<160x64xf32, #tpu.memory_space<hbm>>
      %dma_wait3A_770 = arith.constant 160 : i32
      %dma_wait3A_771 = arith.constant 0 : i32
      %dma_wait3A_772 = tpu.memref_slice %arg12[%dma_wait3A_770, %dma_wait3A_771] : memref<320x64xf32, #tpu.memory_space<vmem>> -> memref<160x64xf32, #tpu.memory_space<vmem>>
      %dma_wait3A_773 = arith.constant 0 : i32
      %dma_wait3A_774 = tpu.memref_slice %arg2[%arg0, %dma_wait3A_773] : memref<20000x64xf32, #tpu.memory_space<hbm>> -> memref<19999x64xf32, #tpu.memory_space<hbm>>
      %dma_wait3A_775 = arith.constant 0 : i32
      %dma_wait3A_776 = arith.constant 0 : i32
      %dma_wait3A_777 = tpu.memref_slice %dma_wait3A_774[%dma_wait3A_775, %dma_wait3A_776] : memref<19999x64xf32, #tpu.memory_space<hbm>> -> memref<160x64xf32, #tpu.memory_space<hbm>>
      tpu.wait_dma2 semaphore(%arg19 : memref<!tpu.dma_semaphore, #tpu.memory_space<semaphore_mem>>) src(%dma_wait3A_777 : memref<160x64xf32, #tpu.memory_space<hbm>>) dst(%dma_wait3A_772 : memref<160x64xf32, #tpu.memory_space<vmem>>)
    }
    %scan3A_31 = arith.constant 62 : i32
    %dma_wait3A = arith.constant 0 : i32
    %dma_wait3A_32 = arith.constant 0 : i32
    %dma_wait3A_33 = tpu.memref_slice %arg12[%dma_wait3A, %dma_wait3A_32] : memref<320x64xf32, #tpu.memory_space<vmem>> -> memref<160x64xf32, #tpu.memory_space<vmem>>
    %dma_wait3A_34 = arith.constant 0 : i32
    %dma_wait3A_35 = tpu.memref_slice %arg2[%arg0, %dma_wait3A_34] : memref<20000x64xf32, #tpu.memory_space<hbm>> -> memref<19999x64xf32, #tpu.memory_space<hbm>>
    %dma_wait3A_36 = arith.constant 0 : i32
    %dma_wait3A_37 = arith.constant 0 : i32
    %dma_wait3A_38 = tpu.memref_slice %dma_wait3A_35[%dma_wait3A_36, %dma_wait3A_37] : memref<19999x64xf32, #tpu.memory_space<hbm>> -> memref<160x64xf32, #tpu.memory_space<hbm>>
    %dma_wait3A_39 = arith.constant 0 : i32
    %dma_wait3A_40 = arith.constant 0 : i32
    %dma_wait3A_41 = tpu.memref_slice %arg12[%dma_wait3A_39, %dma_wait3A_40] : memref<320x64xf32, #tpu.memory_space<vmem>> -> memref<160x64xf32, #tpu.memory_space<vmem>>
    %dma_wait3A_42 = arith.constant 0 : i32
    %dma_wait3A_43 = tpu.memref_slice %arg2[%arg0, %dma_wait3A_42] : memref<20000x64xf32, #tpu.memory_space<hbm>> -> memref<19999x64xf32, #tpu.memory_space<hbm>>
    %dma_wait3A_44 = arith.constant 0 : i32
    %dma_wait3A_45 = arith.constant 0 : i32
    %dma_wait3A_46 = tpu.memref_slice %dma_wait3A_43[%dma_wait3A_44, %dma_wait3A_45] : memref<19999x64xf32, #tpu.memory_space<hbm>> -> memref<160x64xf32, #tpu.memory_space<hbm>>
    tpu.wait_dma2 semaphore(%arg16 : memref<!tpu.dma_semaphore, #tpu.memory_space<semaphore_mem>>) src(%dma_wait3A_46 : memref<160x64xf32, #tpu.memory_space<hbm>>) dst(%dma_wait3A_41 : memref<160x64xf32, #tpu.memory_space<vmem>>)
    %dma_start3A_47 = arith.constant 0 : i32
    %dma_start3A_48 = arith.constant 0 : i32
    %dma_start3A_49 = tpu.memref_slice %arg12[%dma_start3A_47, %dma_start3A_48] : memref<320x64xf32, #tpu.memory_space<vmem>> -> memref<80x64xf32, #tpu.memory_space<vmem>>
    %dma_start3A_50 = arith.constant 39840 : i32
    %dma_start3A_51 = tpu.memref_slice %arg11[%dma_start3A_50] : memref<40000xi32, #tpu.memory_space<vmem>> -> memref<80xi32, #tpu.memory_space<vmem>>
    %dma_start3A_52 = arith.constant 0 : i32
    %dma_start3A_53 = arith.constant 0 : i32
    %dma_start3A_54 = tpu.memref_slice %arg15[%dma_start3A_52, %dma_start3A_53] : memref<10240x64xf32, #tpu.memory_space<vmem_shared>> -> memref<10240x64xf32, #tpu.memory_space<vmem_shared>>
    tpu.enqueue_indirect_dma source(%dma_start3A_49 : memref<80x64xf32, #tpu.memory_space<vmem>>) target(%dma_start3A_54 : memref<10240x64xf32, #tpu.memory_space<vmem_shared>>) offsets(%dma_start3A_51 : memref<80xi32, #tpu.memory_space<vmem>>) semaphore(%arg18 : memref<!tpu.dma_semaphore, #tpu.memory_space<semaphore_mem>>) {add = true}
    %dma_start3A_55 = arith.constant 80 : i32
    %dma_start3A_56 = arith.constant 0 : i32
    %dma_start3A_57 = tpu.memref_slice %arg12[%dma_start3A_55, %dma_start3A_56] : memref<320x64xf32, #tpu.memory_space<vmem>> -> memref<80x64xf32, #tpu.memory_space<vmem>>
    %dma_start3A_58 = arith.constant 39920 : i32
    %dma_start3A_59 = tpu.memref_slice %arg11[%dma_start3A_58] : memref<40000xi32, #tpu.memory_space<vmem>> -> memref<80xi32, #tpu.memory_space<vmem>>
    %dma_start3A_60 = arith.constant 0 : i32
    %dma_start3A_61 = arith.constant 0 : i32
    %dma_start3A_62 = tpu.memref_slice %arg15[%dma_start3A_60, %dma_start3A_61] : memref<10240x64xf32, #tpu.memory_space<vmem_shared>> -> memref<10240x64xf32, #tpu.memory_space<vmem_shared>>
    tpu.enqueue_indirect_dma source(%dma_start3A_57 : memref<80x64xf32, #tpu.memory_space<vmem>>) target(%dma_start3A_62 : memref<10240x64xf32, #tpu.memory_space<vmem_shared>>) offsets(%dma_start3A_59 : memref<80xi32, #tpu.memory_space<vmem>>) semaphore(%arg18 : memref<!tpu.dma_semaphore, #tpu.memory_space<semaphore_mem>>) {add = true}
    %get3A = arith.constant 39840 : index
    %get3A_63 = tpu.vector_load %arg11[%get3A] {strides = array<i32>} : memref<40000xi32, #tpu.memory_space<vmem>>, vector<16xi32>,
    %gather3A = tpu.vector_load_idx %arg13[%get3A_63] : memref<20480xf32, #tpu.memory_space<vmem>>[vector<16xi32>], vector<16xf32>,
    %get3A_64 = arith.constant 19840 : index
    %get3A_65 = tpu.vector_load %arg11[%get3A_64] {strides = array<i32>} : memref<40000xi32, #tpu.memory_space<vmem>>, vector<16xi32>,
    %shift_right_logical3A = arith.constant 1 : i32
    %shift_right_logical3A_66 = vector.broadcast %shift_right_logical3A : i32 to vector<16xi32>
    %shift_right_logical3A_67 = arith.shrui %get3A_65, %shift_right_logical3A_66 : vector<16xi32>
    %add3A_68 = arith.addi %shift_right_logical3A_67, %broadcast_in_dim3A_7 : vector<16xi32>
    tpu.vector_store_idx %arg13[%add3A_68], %gather3A {add = true} : memref<20480xf32, #tpu.memory_space<vmem>>[vector<16xi32>], vector<16xf32>,
    %get3A_69 = arith.constant 39856 : index
    %get3A_70 = tpu.vector_load %arg11[%get3A_69] {strides = array<i32>} : memref<40000xi32, #tpu.memory_space<vmem>>, vector<16xi32>,
    %gather3A_71 = tpu.vector_load_idx %arg13[%get3A_70] : memref<20480xf32, #tpu.memory_space<vmem>>[vector<16xi32>], vector<16xf32>,
    %get3A_72 = arith.constant 19856 : index
    %get3A_73 = tpu.vector_load %arg11[%get3A_72] {strides = array<i32>} : memref<40000xi32, #tpu.memory_space<vmem>>, vector<16xi32>,
    %shift_right_logical3A_74 = arith.constant 1 : i32
    %shift_right_logical3A_75 = vector.broadcast %shift_right_logical3A_74 : i32 to vector<16xi32>
    %shift_right_logical3A_76 = arith.shrui %get3A_73, %shift_right_logical3A_75 : vector<16xi32>
    %add3A_77 = arith.addi %shift_right_logical3A_76, %broadcast_in_dim3A_7 : vector<16xi32>
    tpu.vector_store_idx %arg13[%add3A_77], %gather3A_71 {add = true} : memref<20480xf32, #tpu.memory_space<vmem>>[vector<16xi32>], vector<16xf32>,
    %get3A_78 = arith.constant 39872 : index
    %get3A_79 = tpu.vector_load %arg11[%get3A_78] {strides = array<i32>} : memref<40000xi32, #tpu.memory_space<vmem>>, vector<16xi32>,
    %gather3A_80 = tpu.vector_load_idx %arg13[%get3A_79] : memref<20480xf32, #tpu.memory_space<vmem>>[vector<16xi32>], vector<16xf32>,
    %get3A_81 = arith.constant 19872 : index
    %get3A_82 = tpu.vector_load %arg11[%get3A_81] {strides = array<i32>} : memref<40000xi32, #tpu.memory_space<vmem>>, vector<16xi32>,
    %shift_right_logical3A_83 = arith.constant 1 : i32
    %shift_right_logical3A_84 = vector.broadcast %shift_right_logical3A_83 : i32 to vector<16xi32>
    %shift_right_logical3A_85 = arith.shrui %get3A_82, %shift_right_logical3A_84 : vector<16xi32>
    %add3A_86 = arith.addi %shift_right_logical3A_85, %broadcast_in_dim3A_7 : vector<16xi32>
    tpu.vector_store_idx %arg13[%add3A_86], %gather3A_80 {add = true} : memref<20480xf32, #tpu.memory_space<vmem>>[vector<16xi32>], vector<16xf32>,
    %get3A_87 = arith.constant 39888 : index
    %get3A_88 = tpu.vector_load %arg11[%get3A_87] {strides = array<i32>} : memref<40000xi32, #tpu.memory_space<vmem>>, vector<16xi32>,
    %gather3A_89 = tpu.vector_load_idx %arg13[%get3A_88] : memref<20480xf32, #tpu.memory_space<vmem>>[vector<16xi32>], vector<16xf32>,
    %get3A_90 = arith.constant 19888 : index
    %get3A_91 = tpu.vector_load %arg11[%get3A_90] {strides = array<i32>} : memref<40000xi32, #tpu.memory_space<vmem>>, vector<16xi32>,
    %shift_right_logical3A_92 = arith.constant 1 : i32
    %shift_right_logical3A_93 = vector.broadcast %shift_right_logical3A_92 : i32 to vector<16xi32>
    %shift_right_logical3A_94 = arith.shrui %get3A_91, %shift_right_logical3A_93 : vector<16xi32>
    %add3A_95 = arith.addi %shift_right_logical3A_94, %broadcast_in_dim3A_7 : vector<16xi32>
    tpu.vector_store_idx %arg13[%add3A_95], %gather3A_89 {add = true} : memref<20480xf32, #tpu.memory_space<vmem>>[vector<16xi32>], vector<16xf32>,
    %get3A_96 = arith.constant 39904 : index
    %get3A_97 = tpu.vector_load %arg11[%get3A_96] {strides = array<i32>} : memref<40000xi32, #tpu.memory_space<vmem>>, vector<16xi32>,
    %gather3A_98 = tpu.vector_load_idx %arg13[%get3A_97] : memref<20480xf32, #tpu.memory_space<vmem>>[vector<16xi32>], vector<16xf32>,
    %get3A_99 = arith.constant 19904 : index
    %get3A_100 = tpu.vector_load %arg11[%get3A_99] {strides = array<i32>} : memref<40000xi32, #tpu.memory_space<vmem>>, vector<16xi32>,
    %shift_right_logical3A_101 = arith.constant 1 : i32
    %shift_right_logical3A_102 = vector.broadcast %shift_right_logical3A_101 : i32 to vector<16xi32>
    %shift_right_logical3A_103 = arith.shrui %get3A_100, %shift_right_logical3A_102 : vector<16xi32>
    %add3A_104 = arith.addi %shift_right_logical3A_103, %broadcast_in_dim3A_7 : vector<16xi32>
    tpu.vector_store_idx %arg13[%add3A_104], %gather3A_98 {add = true} : memref<20480xf32, #tpu.memory_space<vmem>>[vector<16xi32>], vector<16xf32>,
    %get3A_105 = arith.constant 39920 : index
    %get3A_106 = tpu.vector_load %arg11[%get3A_105] {strides = array<i32>} : memref<40000xi32, #tpu.memory_space<vmem>>, vector<16xi32>,
    %gather3A_107 = tpu.vector_load_idx %arg13[%get3A_106] : memref<20480xf32, #tpu.memory_space<vmem>>[vector<16xi32>], vector<16xf32>,
    %get3A_108 = arith.constant 19920 : index
    %get3A_109 = tpu.vector_load %arg11[%get3A_108] {strides = array<i32>} : memref<40000xi32, #tpu.memory_space<vmem>>, vector<16xi32>,
    %shift_right_logical3A_110 = arith.constant 1 : i32
    %shift_right_logical3A_111 = vector.broadcast %shift_right_logical3A_110 : i32 to vector<16xi32>
    %shift_right_logical3A_112 = arith.shrui %get3A_109, %shift_right_logical3A_111 : vector<16xi32>
    %add3A_113 = arith.addi %shift_right_logical3A_112, %broadcast_in_dim3A_7 : vector<16xi32>
    tpu.vector_store_idx %arg13[%add3A_113], %gather3A_107 {add = true} : memref<20480xf32, #tpu.memory_space<vmem>>[vector<16xi32>], vector<16xf32>,
    %get3A_114 = arith.constant 39936 : index
    %get3A_115 = tpu.vector_load %arg11[%get3A_114] {strides = array<i32>} : memref<40000xi32, #tpu.memory_space<vmem>>, vector<16xi32>,
    %gather3A_116 = tpu.vector_load_idx %arg13[%get3A_115] : memref<20480xf32, #tpu.memory_space<vmem>>[vector<16xi32>], vector<16xf32>,
    %get3A_117 = arith.constant 19936 : index
    %get3A_118 = tpu.vector_load %arg11[%get3A_117] {strides = array<i32>} : memref<40000xi32, #tpu.memory_space<vmem>>, vector<16xi32>,
    %shift_right_logical3A_119 = arith.constant 1 : i32
    %shift_right_logical3A_120 = vector.broadcast %shift_right_logical3A_119 : i32 to vector<16xi32>
    %shift_right_logical3A_121 = arith.shrui %get3A_118, %shift_right_logical3A_120 : vector<16xi32>
    %add3A_122 = arith.addi %shift_right_logical3A_121, %broadcast_in_dim3A_7 : vector<16xi32>
    tpu.vector_store_idx %arg13[%add3A_122], %gather3A_116 {add = true} : memref<20480xf32, #tpu.memory_space<vmem>>[vector<16xi32>], vector<16xf32>,
    %get3A_123 = arith.constant 39952 : index
    %get3A_124 = tpu.vector_load %arg11[%get3A_123] {strides = array<i32>} : memref<40000xi32, #tpu.memory_space<vmem>>, vector<16xi32>,
    %gather3A_125 = tpu.vector_load_idx %arg13[%get3A_124] : memref<20480xf32, #tpu.memory_space<vmem>>[vector<16xi32>], vector<16xf32>,
    %get3A_126 = arith.constant 19952 : index
    %get3A_127 = tpu.vector_load %arg11[%get3A_126] {strides = array<i32>} : memref<40000xi32, #tpu.memory_space<vmem>>, vector<16xi32>,
    %shift_right_logical3A_128 = arith.constant 1 : i32
    %shift_right_logical3A_129 = vector.broadcast %shift_right_logical3A_128 : i32 to vector<16xi32>
    %shift_right_logical3A_130 = arith.shrui %get3A_127, %shift_right_logical3A_129 : vector<16xi32>
    %add3A_131 = arith.addi %shift_right_logical3A_130, %broadcast_in_dim3A_7 : vector<16xi32>
    tpu.vector_store_idx %arg13[%add3A_131], %gather3A_125 {add = true} : memref<20480xf32, #tpu.memory_space<vmem>>[vector<16xi32>], vector<16xf32>,
    %get3A_132 = arith.constant 39968 : index
    %get3A_133 = tpu.vector_load %arg11[%get3A_132] {strides = array<i32>} : memref<40000xi32, #tpu.memory_space<vmem>>, vector<16xi32>,
    %gather3A_134 = tpu.vector_load_idx %arg13[%get3A_133] : memref<20480xf32, #tpu.memory_space<vmem>>[vector<16xi32>], vector<16xf32>,
    %get3A_135 = arith.constant 19968 : index
    %get3A_136 = tpu.vector_load %arg11[%get3A_135] {strides = array<i32>} : memref<40000xi32, #tpu.memory_space<vmem>>, vector<16xi32>,
    %shift_right_logical3A_137 = arith.constant 1 : i32
    %shift_right_logical3A_138 = vector.broadcast %shift_right_logical3A_137 : i32 to vector<16xi32>
    %shift_right_logical3A_139 = arith.shrui %get3A_136, %shift_right_logical3A_138 : vector<16xi32>
    %add3A_140 = arith.addi %shift_right_logical3A_139, %broadcast_in_dim3A_7 : vector<16xi32>
    tpu.vector_store_idx %arg13[%add3A_140], %gather3A_134 {add = true} : memref<20480xf32, #tpu.memory_space<vmem>>[vector<16xi32>], vector<16xf32>,
    %get3A_141 = arith.constant 39984 : index
    %get3A_142 = tpu.vector_load %arg11[%get3A_141] {strides = array<i32>} : memref<40000xi32, #tpu.memory_space<vmem>>, vector<16xi32>,
    %gather3A_143 = tpu.vector_load_idx %arg13[%get3A_142] : memref<20480xf32, #tpu.memory_space<vmem>>[vector<16xi32>], vector<16xf32>,
    %get3A_144 = arith.constant 19984 : index
    %get3A_145 = tpu.vector_load %arg11[%get3A_144] {strides = array<i32>} : memref<40000xi32, #tpu.memory_space<vmem>>, vector<16xi32>,
    %shift_right_logical3A_146 = arith.constant 1 : i32
    %shift_right_logical3A_147 = vector.broadcast %shift_right_logical3A_146 : i32 to vector<16xi32>
    %shift_right_logical3A_148 = arith.shrui %get3A_145, %shift_right_logical3A_147 : vector<16xi32>
    %add3A_149 = arith.addi %shift_right_logical3A_148, %broadcast_in_dim3A_7 : vector<16xi32>
    tpu.vector_store_idx %arg13[%add3A_149], %gather3A_143 {add = true} : memref<20480xf32, #tpu.memory_space<vmem>>[vector<16xi32>], vector<16xf32>,
    %dma_wait3A_150 = arith.constant 0 : i32
    %dma_wait3A_151 = arith.constant 0 : i32
    %dma_wait3A_152 = tpu.memref_slice %arg12[%dma_wait3A_150, %dma_wait3A_151] : memref<320x64xf32, #tpu.memory_space<vmem>> -> memref<160x64xf32, #tpu.memory_space<vmem>>
    %dma_wait3A_153 = arith.constant 0 : i32
    %dma_wait3A_154 = tpu.memref_slice %arg2[%arg0, %dma_wait3A_153] : memref<20000x64xf32, #tpu.memory_space<hbm>> -> memref<19999x64xf32, #tpu.memory_space<hbm>>
    %dma_wait3A_155 = arith.constant 0 : i32
    %dma_wait3A_156 = arith.constant 0 : i32
    %dma_wait3A_157 = tpu.memref_slice %dma_wait3A_154[%dma_wait3A_155, %dma_wait3A_156] : memref<19999x64xf32, #tpu.memory_space<hbm>> -> memref<160x64xf32, #tpu.memory_space<hbm>>
    %dma_wait3A_158 = arith.constant 0 : i32
    %dma_wait3A_159 = arith.constant 0 : i32
    %dma_wait3A_160 = tpu.memref_slice %arg12[%dma_wait3A_158, %dma_wait3A_159] : memref<320x64xf32, #tpu.memory_space<vmem>> -> memref<160x64xf32, #tpu.memory_space<vmem>>
    %dma_wait3A_161 = arith.constant 0 : i32
    %dma_wait3A_162 = tpu.memref_slice %arg2[%arg0, %dma_wait3A_161] : memref<20000x64xf32, #tpu.memory_space<hbm>> -> memref<19999x64xf32, #tpu.memory_space<hbm>>
    %dma_wait3A_163 = arith.constant 0 : i32
    %dma_wait3A_164 = arith.constant 0 : i32
    %dma_wait3A_165 = tpu.memref_slice %dma_wait3A_162[%dma_wait3A_163, %dma_wait3A_164] : memref<19999x64xf32, #tpu.memory_space<hbm>> -> memref<160x64xf32, #tpu.memory_space<hbm>>
    tpu.wait_dma2 semaphore(%arg18 : memref<!tpu.dma_semaphore, #tpu.memory_space<semaphore_mem>>) src(%dma_wait3A_165 : memref<160x64xf32, #tpu.memory_space<hbm>>) dst(%dma_wait3A_160 : memref<160x64xf32, #tpu.memory_space<vmem>>)
    "tpu.region"() ({
      %run_scoped3A_187 = tpu.sem_alloc : memref<!tpu.dma_semaphore, #tpu.memory_space<semaphore_mem>>
      %dma_start3A_188 = arith.constant 10240 : i32
      %dma_start3A_189 = tpu.memref_slice %arg13[%dma_start3A_188] : memref<20480xf32, #tpu.memory_space<vmem>> -> memref<10240xf32, #tpu.memory_space<vmem>>
      %dma_start3A_190 = arith.constant 0 : i32
      %dma_start3A_191 = tpu.memref_slice %arg10[%add3A, %dma_start3A_190] : memref<32x10240xf32, #tpu.memory_space<hbm>> -> memref<1x10240xf32, #tpu.memory_space<hbm>>
      %dma_start3A_192 = tpu.memref_squeeze %dma_start3A_191 : memref<1x10240xf32, #tpu.memory_space<hbm>> -> memref<10240xf32, #tpu.memory_space<hbm>>
      %dma_start3A_193 = arith.constant 0 : i32
      %dma_start3A_194 = tpu.memref_slice %arg10[%add3A, %dma_start3A_193] : memref<32x10240xf32, #tpu.memory_space<hbm>> -> memref<1x10240xf32, #tpu.memory_space<hbm>>
      %dma_start3A_195 = tpu.memref_squeeze %dma_start3A_194 : memref<1x10240xf32, #tpu.memory_space<hbm>> -> memref<10240xf32, #tpu.memory_space<hbm>>
      %dma_start3A_196 = arith.constant 10240 : i32
      %dma_start3A_197 = tpu.memref_slice %arg13[%dma_start3A_196] : memref<20480xf32, #tpu.memory_space<vmem>> -> memref<10240xf32, #tpu.memory_space<vmem>>
      tpu.enqueue_dma source(%dma_start3A_197 : memref<10240xf32, #tpu.memory_space<vmem>>) target(%dma_start3A_195 : memref<10240xf32, #tpu.memory_space<hbm>>) target_semaphore(%run_scoped3A_187 : memref<!tpu.dma_semaphore, #tpu.memory_space<semaphore_mem>>)
      %dma_wait3A_198 = arith.constant 10240 : i32
      %dma_wait3A_199 = tpu.memref_slice %arg13[%dma_wait3A_198] : memref<20480xf32, #tpu.memory_space<vmem>> -> memref<10240xf32, #tpu.memory_space<vmem>>
      %dma_wait3A_200 = arith.constant 0 : i32
      %dma_wait3A_201 = tpu.memref_slice %arg10[%add3A, %dma_wait3A_200] : memref<32x10240xf32, #tpu.memory_space<hbm>> -> memref<1x10240xf32, #tpu.memory_space<hbm>>
      %dma_wait3A_202 = tpu.memref_squeeze %dma_wait3A_201 : memref<1x10240xf32, #tpu.memory_space<hbm>> -> memref<10240xf32, #tpu.memory_space<hbm>>
      %dma_wait3A_203 = arith.constant 0 : i32
      %dma_wait3A_204 = tpu.memref_slice %arg10[%add3A, %dma_wait3A_203] : memref<32x10240xf32, #tpu.memory_space<hbm>> -> memref<1x10240xf32, #tpu.memory_space<hbm>>
      %dma_wait3A_205 = tpu.memref_squeeze %dma_wait3A_204 : memref<1x10240xf32, #tpu.memory_space<hbm>> -> memref<10240xf32, #tpu.memory_space<hbm>>
      %dma_wait3A_206 = arith.constant 10240 : i32
      %dma_wait3A_207 = tpu.memref_slice %arg13[%dma_wait3A_206] : memref<20480xf32, #tpu.memory_space<vmem>> -> memref<10240xf32, #tpu.memory_space<vmem>>
      tpu.wait_dma2 semaphore(%run_scoped3A_187 : memref<!tpu.dma_semaphore, #tpu.memory_space<semaphore_mem>>) src(%dma_wait3A_207 : memref<10240xf32, #tpu.memory_space<vmem>>) dst(%dma_wait3A_205 : memref<10240xf32, #tpu.memory_space<hbm>>)
      tpu.yield
    }) : () -> ()
    %barrier3A_166 = arith.constant 0 : index
    tpu.barrier barrier_id(%barrier3A_166)
    %mul3A_167 = arith.constant 640 : i32
    %mul3A_168 = arith.muli %arg1, %mul3A_167 : i32
    %add3A_169 = arith.constant 0 : i32
    %add3A_170 = arith.addi %mul3A_168, %add3A_169 : i32
    "tpu.region"() ({
      %run_scoped3A_187 = tpu.sem_alloc : memref<!tpu.dma_semaphore, #tpu.memory_space<semaphore_mem>>
      %dma_start3A_188 = arith.constant 0 : i32
      %dma_start3A_189 = arith.constant 0 : i32
      %dma_start3A_190 = tpu.memref_slice %arg12[%dma_start3A_188, %dma_start3A_189] : memref<320x64xf32, #tpu.memory_space<vmem>> -> memref<128x64xf32, #tpu.memory_space<vmem>>
      %dma_start3A_191 = arith.constant 0 : i32
      %dma_start3A_192 = tpu.memref_slice %arg15[%add3A_170, %dma_start3A_191] : memref<10240x64xf32, #tpu.memory_space<vmem_shared>> -> memref<128x64xf32, #tpu.memory_space<vmem_shared>>
      %dma_start3A_193 = arith.constant 0 : i32
      %dma_start3A_194 = arith.constant 0 : i32
      %dma_start3A_195 = tpu.memref_slice %arg12[%dma_start3A_193, %dma_start3A_194] : memref<320x64xf32, #tpu.memory_space<vmem>> -> memref<128x64xf32, #tpu.memory_space<vmem>>
      %dma_start3A_196 = arith.constant 0 : i32
      %dma_start3A_197 = tpu.memref_slice %arg15[%add3A_170, %dma_start3A_196] : memref<10240x64xf32, #tpu.memory_space<vmem_shared>> -> memref<128x64xf32, #tpu.memory_space<vmem_shared>>
      tpu.enqueue_dma source(%dma_start3A_197 : memref<128x64xf32, #tpu.memory_space<vmem_shared>>) target(%dma_start3A_195 : memref<128x64xf32, #tpu.memory_space<vmem>>) target_semaphore(%run_scoped3A_187 : memref<!tpu.dma_semaphore, #tpu.memory_space<semaphore_mem>>)
      %dma_wait3A_198 = arith.constant 0 : i32
      %dma_wait3A_199 = arith.constant 0 : i32
      %dma_wait3A_200 = tpu.memref_slice %arg12[%dma_wait3A_198, %dma_wait3A_199] : memref<320x64xf32, #tpu.memory_space<vmem>> -> memref<128x64xf32, #tpu.memory_space<vmem>>
      %dma_wait3A_201 = arith.constant 0 : i32
      %dma_wait3A_202 = tpu.memref_slice %arg15[%add3A_170, %dma_wait3A_201] : memref<10240x64xf32, #tpu.memory_space<vmem_shared>> -> memref<128x64xf32, #tpu.memory_space<vmem_shared>>
      %dma_wait3A_203 = arith.constant 0 : i32
      %dma_wait3A_204 = arith.constant 0 : i32
      %dma_wait3A_205 = tpu.memref_slice %arg12[%dma_wait3A_203, %dma_wait3A_204] : memref<320x64xf32, #tpu.memory_space<vmem>> -> memref<128x64xf32, #tpu.memory_space<vmem>>
      %dma_wait3A_206 = arith.constant 0 : i32
      %dma_wait3A_207 = tpu.memref_slice %arg15[%add3A_170, %dma_wait3A_206] : memref<10240x64xf32, #tpu.memory_space<vmem_shared>> -> memref<128x64xf32, #tpu.memory_space<vmem_shared>>
      tpu.wait_dma2 semaphore(%run_scoped3A_187 : memref<!tpu.dma_semaphore, #tpu.memory_space<semaphore_mem>>) src(%dma_wait3A_207 : memref<128x64xf32, #tpu.memory_space<vmem_shared>>) dst(%dma_wait3A_205 : memref<128x64xf32, #tpu.memory_space<vmem>>)
      tpu.yield
    }) : () -> ()
    "tpu.region"() ({
      %run_scoped3A_187 = tpu.sem_alloc : memref<!tpu.dma_semaphore, #tpu.memory_space<semaphore_mem>>
      %dma_start3A_188 = arith.constant 0 : i32
      %dma_start3A_189 = arith.constant 0 : i32
      %dma_start3A_190 = tpu.memref_slice %arg12[%dma_start3A_188, %dma_start3A_189] : memref<320x64xf32, #tpu.memory_space<vmem>> -> memref<128x64xf32, #tpu.memory_space<vmem>>
      %dma_start3A_191 = arith.constant 0 : i32
      %dma_start3A_192 = tpu.memref_slice %arg14[%dma_start3A_191] : memref<640xi32, #tpu.memory_space<vmem>> -> memref<128xi32, #tpu.memory_space<vmem>>
      %dma_start3A_193 = arith.constant 0 : i32
      %dma_start3A_194 = arith.constant 0 : i32
      %dma_start3A_195 = tpu.memref_slice %arg9[%dma_start3A_193, %dma_start3A_194] : memref<20480x64xf32, #tpu.memory_space<hbm>> -> memref<20480x64xf32, #tpu.memory_space<hbm>>
      tpu.enqueue_indirect_dma source(%dma_start3A_190 : memref<128x64xf32, #tpu.memory_space<vmem>>) target(%dma_start3A_195 : memref<20480x64xf32, #tpu.memory_space<hbm>>) offsets(%dma_start3A_192 : memref<128xi32, #tpu.memory_space<vmem>>) semaphore(%run_scoped3A_187 : memref<!tpu.dma_semaphore, #tpu.memory_space<semaphore_mem>>)
      %dma_wait3A_196 = arith.constant 0 : i32
      %dma_wait3A_197 = arith.constant 0 : i32
      %dma_wait3A_198 = tpu.memref_slice %arg12[%dma_wait3A_196, %dma_wait3A_197] : memref<320x64xf32, #tpu.memory_space<vmem>> -> memref<128x64xf32, #tpu.memory_space<vmem>>
      %dma_wait3A_199 = arith.constant 0 : i32
      %dma_wait3A_200 = tpu.memref_slice %arg14[%dma_wait3A_199] : memref<640xi32, #tpu.memory_space<vmem>> -> memref<128xi32, #tpu.memory_space<vmem>>
      %dma_wait3A_201 = arith.constant 0 : i32
      %dma_wait3A_202 = arith.constant 0 : i32
      %dma_wait3A_203 = tpu.memref_slice %arg9[%dma_wait3A_201, %dma_wait3A_202] : memref<20480x64xf32, #tpu.memory_space<hbm>> -> memref<20480x64xf32, #tpu.memory_space<hbm>>
      tpu.wait_indirect_dma semaphore(%run_scoped3A_187 : memref<!tpu.dma_semaphore, #tpu.memory_space<semaphore_mem>>) src(%dma_wait3A_198 : memref<128x64xf32, #tpu.memory_space<vmem>>) dst(%dma_wait3A_203 : memref<20480x64xf32, #tpu.memory_space<hbm>>)
      tpu.yield
    }) : () -> ()
    %mul3A_171 = arith.constant 640 : i32
    %mul3A_172 = arith.muli %arg1, %mul3A_171 : i32
    %add3A_173 = arith.constant 128 : i32
    %add3A_174 = arith.addi %mul3A_172, %add3A_173 : i32
    "tpu.region"() ({
      %run_scoped3A_187 = tpu.sem_alloc : memref<!tpu.dma_semaphore, #tpu.memory_space<semaphore_mem>>
      %dma_start3A_188 = arith.constant 0 : i32
      %dma_start3A_189 = arith.constant 0 : i32
      %dma_start3A_190 = tpu.memref_slice %arg12[%dma_start3A_188, %dma_start3A_189] : memref<320x64xf32, #tpu.memory_space<vmem>> -> memref<128x64xf32, #tpu.memory_space<vmem>>
      %dma_start3A_191 = arith.constant 0 : i32
      %dma_start3A_192 = tpu.memref_slice %arg15[%add3A_174, %dma_start3A_191] : memref<10240x64xf32, #tpu.memory_space<vmem_shared>> -> memref<128x64xf32, #tpu.memory_space<vmem_shared>>
      %dma_start3A_193 = arith.constant 0 : i32
      %dma_start3A_194 = arith.constant 0 : i32
      %dma_start3A_195 = tpu.memref_slice %arg12[%dma_start3A_193, %dma_start3A_194] : memref<320x64xf32, #tpu.memory_space<vmem>> -> memref<128x64xf32, #tpu.memory_space<vmem>>
      %dma_start3A_196 = arith.constant 0 : i32
      %dma_start3A_197 = tpu.memref_slice %arg15[%add3A_174, %dma_start3A_196] : memref<10240x64xf32, #tpu.memory_space<vmem_shared>> -> memref<128x64xf32, #tpu.memory_space<vmem_shared>>
      tpu.enqueue_dma source(%dma_start3A_197 : memref<128x64xf32, #tpu.memory_space<vmem_shared>>) target(%dma_start3A_195 : memref<128x64xf32, #tpu.memory_space<vmem>>) target_semaphore(%run_scoped3A_187 : memref<!tpu.dma_semaphore, #tpu.memory_space<semaphore_mem>>)
      %dma_wait3A_198 = arith.constant 0 : i32
      %dma_wait3A_199 = arith.constant 0 : i32
      %dma_wait3A_200 = tpu.memref_slice %arg12[%dma_wait3A_198, %dma_wait3A_199] : memref<320x64xf32, #tpu.memory_space<vmem>> -> memref<128x64xf32, #tpu.memory_space<vmem>>
      %dma_wait3A_201 = arith.constant 0 : i32
      %dma_wait3A_202 = tpu.memref_slice %arg15[%add3A_174, %dma_wait3A_201] : memref<10240x64xf32, #tpu.memory_space<vmem_shared>> -> memref<128x64xf32, #tpu.memory_space<vmem_shared>>
      %dma_wait3A_203 = arith.constant 0 : i32
      %dma_wait3A_204 = arith.constant 0 : i32
      %dma_wait3A_205 = tpu.memref_slice %arg12[%dma_wait3A_203, %dma_wait3A_204] : memref<320x64xf32, #tpu.memory_space<vmem>> -> memref<128x64xf32, #tpu.memory_space<vmem>>
      %dma_wait3A_206 = arith.constant 0 : i32
      %dma_wait3A_207 = tpu.memref_slice %arg15[%add3A_174, %dma_wait3A_206] : memref<10240x64xf32, #tpu.memory_space<vmem_shared>> -> memref<128x64xf32, #tpu.memory_space<vmem_shared>>
      tpu.wait_dma2 semaphore(%run_scoped3A_187 : memref<!tpu.dma_semaphore, #tpu.memory_space<semaphore_mem>>) src(%dma_wait3A_207 : memref<128x64xf32, #tpu.memory_space<vmem_shared>>) dst(%dma_wait3A_205 : memref<128x64xf32, #tpu.memory_space<vmem>>)
      tpu.yield
    }) : () -> ()
    "tpu.region"() ({
      %run_scoped3A_187 = tpu.sem_alloc : memref<!tpu.dma_semaphore, #tpu.memory_space<semaphore_mem>>
      %dma_start3A_188 = arith.constant 0 : i32
      %dma_start3A_189 = arith.constant 0 : i32
      %dma_start3A_190 = tpu.memref_slice %arg12[%dma_start3A_188, %dma_start3A_189] : memref<320x64xf32, #tpu.memory_space<vmem>> -> memref<128x64xf32, #tpu.memory_space<vmem>>
      %dma_start3A_191 = arith.constant 128 : i32
      %dma_start3A_192 = tpu.memref_slice %arg14[%dma_start3A_191] : memref<640xi32, #tpu.memory_space<vmem>> -> memref<128xi32, #tpu.memory_space<vmem>>
      %dma_start3A_193 = arith.constant 0 : i32
      %dma_start3A_194 = arith.constant 0 : i32
      %dma_start3A_195 = tpu.memref_slice %arg9[%dma_start3A_193, %dma_start3A_194] : memref<20480x64xf32, #tpu.memory_space<hbm>> -> memref<20480x64xf32, #tpu.memory_space<hbm>>
      tpu.enqueue_indirect_dma source(%dma_start3A_190 : memref<128x64xf32, #tpu.memory_space<vmem>>) target(%dma_start3A_195 : memref<20480x64xf32, #tpu.memory_space<hbm>>) offsets(%dma_start3A_192 : memref<128xi32, #tpu.memory_space<vmem>>) semaphore(%run_scoped3A_187 : memref<!tpu.dma_semaphore, #tpu.memory_space<semaphore_mem>>)
      %dma_wait3A_196 = arith.constant 0 : i32
      %dma_wait3A_197 = arith.constant 0 : i32
      %dma_wait3A_198 = tpu.memref_slice %arg12[%dma_wait3A_196, %dma_wait3A_197] : memref<320x64xf32, #tpu.memory_space<vmem>> -> memref<128x64xf32, #tpu.memory_space<vmem>>
      %dma_wait3A_199 = arith.constant 128 : i32
      %dma_wait3A_200 = tpu.memref_slice %arg14[%dma_wait3A_199] : memref<640xi32, #tpu.memory_space<vmem>> -> memref<128xi32, #tpu.memory_space<vmem>>
      %dma_wait3A_201 = arith.constant 0 : i32
      %dma_wait3A_202 = arith.constant 0 : i32
      %dma_wait3A_203 = tpu.memref_slice %arg9[%dma_wait3A_201, %dma_wait3A_202] : memref<20480x64xf32, #tpu.memory_space<hbm>> -> memref<20480x64xf32, #tpu.memory_space<hbm>>
      tpu.wait_indirect_dma semaphore(%run_scoped3A_187 : memref<!tpu.dma_semaphore, #tpu.memory_space<semaphore_mem>>) src(%dma_wait3A_198 : memref<128x64xf32, #tpu.memory_space<vmem>>) dst(%dma_wait3A_203 : memref<20480x64xf32, #tpu.memory_space<hbm>>)
      tpu.yield
    }) : () -> ()
    %mul3A_175 = arith.constant 640 : i32
    %mul3A_176 = arith.muli %arg1, %mul3A_175 : i32
    %add3A_177 = arith.constant 256 : i32
    %add3A_178 = arith.addi %mul3A_176, %add3A_177 : i32
    "tpu.region"() ({
      %run_scoped3A_187 = tpu.sem_alloc : memref<!tpu.dma_semaphore, #tpu.memory_space<semaphore_mem>>
      %dma_start3A_188 = arith.constant 0 : i32
      %dma_start3A_189 = arith.constant 0 : i32
      %dma_start3A_190 = tpu.memref_slice %arg12[%dma_start3A_188, %dma_start3A_189] : memref<320x64xf32, #tpu.memory_space<vmem>> -> memref<128x64xf32, #tpu.memory_space<vmem>>
      %dma_start3A_191 = arith.constant 0 : i32
      %dma_start3A_192 = tpu.memref_slice %arg15[%add3A_178, %dma_start3A_191] : memref<10240x64xf32, #tpu.memory_space<vmem_shared>> -> memref<128x64xf32, #tpu.memory_space<vmem_shared>>
      %dma_start3A_193 = arith.constant 0 : i32
      %dma_start3A_194 = arith.constant 0 : i32
      %dma_start3A_195 = tpu.memref_slice %arg12[%dma_start3A_193, %dma_start3A_194] : memref<320x64xf32, #tpu.memory_space<vmem>> -> memref<128x64xf32, #tpu.memory_space<vmem>>
      %dma_start3A_196 = arith.constant 0 : i32
      %dma_start3A_197 = tpu.memref_slice %arg15[%add3A_178, %dma_start3A_196] : memref<10240x64xf32, #tpu.memory_space<vmem_shared>> -> memref<128x64xf32, #tpu.memory_space<vmem_shared>>
      tpu.enqueue_dma source(%dma_start3A_197 : memref<128x64xf32, #tpu.memory_space<vmem_shared>>) target(%dma_start3A_195 : memref<128x64xf32, #tpu.memory_space<vmem>>) target_semaphore(%run_scoped3A_187 : memref<!tpu.dma_semaphore, #tpu.memory_space<semaphore_mem>>)
      %dma_wait3A_198 = arith.constant 0 : i32
      %dma_wait3A_199 = arith.constant 0 : i32
      %dma_wait3A_200 = tpu.memref_slice %arg12[%dma_wait3A_198, %dma_wait3A_199] : memref<320x64xf32, #tpu.memory_space<vmem>> -> memref<128x64xf32, #tpu.memory_space<vmem>>
      %dma_wait3A_201 = arith.constant 0 : i32
      %dma_wait3A_202 = tpu.memref_slice %arg15[%add3A_178, %dma_wait3A_201] : memref<10240x64xf32, #tpu.memory_space<vmem_shared>> -> memref<128x64xf32, #tpu.memory_space<vmem_shared>>
      %dma_wait3A_203 = arith.constant 0 : i32
      %dma_wait3A_204 = arith.constant 0 : i32
      %dma_wait3A_205 = tpu.memref_slice %arg12[%dma_wait3A_203, %dma_wait3A_204] : memref<320x64xf32, #tpu.memory_space<vmem>> -> memref<128x64xf32, #tpu.memory_space<vmem>>
      %dma_wait3A_206 = arith.constant 0 : i32
      %dma_wait3A_207 = tpu.memref_slice %arg15[%add3A_178, %dma_wait3A_206] : memref<10240x64xf32, #tpu.memory_space<vmem_shared>> -> memref<128x64xf32, #tpu.memory_space<vmem_shared>>
      tpu.wait_dma2 semaphore(%run_scoped3A_187 : memref<!tpu.dma_semaphore, #tpu.memory_space<semaphore_mem>>) src(%dma_wait3A_207 : memref<128x64xf32, #tpu.memory_space<vmem_shared>>) dst(%dma_wait3A_205 : memref<128x64xf32, #tpu.memory_space<vmem>>)
      tpu.yield
    }) : () -> ()
    "tpu.region"() ({
      %run_scoped3A_187 = tpu.sem_alloc : memref<!tpu.dma_semaphore, #tpu.memory_space<semaphore_mem>>
      %dma_start3A_188 = arith.constant 0 : i32
      %dma_start3A_189 = arith.constant 0 : i32
      %dma_start3A_190 = tpu.memref_slice %arg12[%dma_start3A_188, %dma_start3A_189] : memref<320x64xf32, #tpu.memory_space<vmem>> -> memref<128x64xf32, #tpu.memory_space<vmem>>
      %dma_start3A_191 = arith.constant 256 : i32
      %dma_start3A_192 = tpu.memref_slice %arg14[%dma_start3A_191] : memref<640xi32, #tpu.memory_space<vmem>> -> memref<128xi32, #tpu.memory_space<vmem>>
      %dma_start3A_193 = arith.constant 0 : i32
      %dma_start3A_194 = arith.constant 0 : i32
      %dma_start3A_195 = tpu.memref_slice %arg9[%dma_start3A_193, %dma_start3A_194] : memref<20480x64xf32, #tpu.memory_space<hbm>> -> memref<20480x64xf32, #tpu.memory_space<hbm>>
      tpu.enqueue_indirect_dma source(%dma_start3A_190 : memref<128x64xf32, #tpu.memory_space<vmem>>) target(%dma_start3A_195 : memref<20480x64xf32, #tpu.memory_space<hbm>>) offsets(%dma_start3A_192 : memref<128xi32, #tpu.memory_space<vmem>>) semaphore(%run_scoped3A_187 : memref<!tpu.dma_semaphore, #tpu.memory_space<semaphore_mem>>)
      %dma_wait3A_196 = arith.constant 0 : i32
      %dma_wait3A_197 = arith.constant 0 : i32
      %dma_wait3A_198 = tpu.memref_slice %arg12[%dma_wait3A_196, %dma_wait3A_197] : memref<320x64xf32, #tpu.memory_space<vmem>> -> memref<128x64xf32, #tpu.memory_space<vmem>>
      %dma_wait3A_199 = arith.constant 256 : i32
      %dma_wait3A_200 = tpu.memref_slice %arg14[%dma_wait3A_199] : memref<640xi32, #tpu.memory_space<vmem>> -> memref<128xi32, #tpu.memory_space<vmem>>
      %dma_wait3A_201 = arith.constant 0 : i32
      %dma_wait3A_202 = arith.constant 0 : i32
      %dma_wait3A_203 = tpu.memref_slice %arg9[%dma_wait3A_201, %dma_wait3A_202] : memref<20480x64xf32, #tpu.memory_space<hbm>> -> memref<20480x64xf32, #tpu.memory_space<hbm>>
      tpu.wait_indirect_dma semaphore(%run_scoped3A_187 : memref<!tpu.dma_semaphore, #tpu.memory_space<semaphore_mem>>) src(%dma_wait3A_198 : memref<128x64xf32, #tpu.memory_space<vmem>>) dst(%dma_wait3A_203 : memref<20480x64xf32, #tpu.memory_space<hbm>>)
      tpu.yield
    }) : () -> ()
    %mul3A_179 = arith.constant 640 : i32
    %mul3A_180 = arith.muli %arg1, %mul3A_179 : i32
    %add3A_181 = arith.constant 384 : i32
    %add3A_182 = arith.addi %mul3A_180, %add3A_181 : i32
    "tpu.region"() ({
      %run_scoped3A_187 = tpu.sem_alloc : memref<!tpu.dma_semaphore, #tpu.memory_space<semaphore_mem>>
      %dma_start3A_188 = arith.constant 0 : i32
      %dma_start3A_189 = arith.constant 0 : i32
      %dma_start3A_190 = tpu.memref_slice %arg12[%dma_start3A_188, %dma_start3A_189] : memref<320x64xf32, #tpu.memory_space<vmem>> -> memref<128x64xf32, #tpu.memory_space<vmem>>
      %dma_start3A_191 = arith.constant 0 : i32
      %dma_start3A_192 = tpu.memref_slice %arg15[%add3A_182, %dma_start3A_191] : memref<10240x64xf32, #tpu.memory_space<vmem_shared>> -> memref<128x64xf32, #tpu.memory_space<vmem_shared>>
      %dma_start3A_193 = arith.constant 0 : i32
      %dma_start3A_194 = arith.constant 0 : i32
      %dma_start3A_195 = tpu.memref_slice %arg12[%dma_start3A_193, %dma_start3A_194] : memref<320x64xf32, #tpu.memory_space<vmem>> -> memref<128x64xf32, #tpu.memory_space<vmem>>
      %dma_start3A_196 = arith.constant 0 : i32
      %dma_start3A_197 = tpu.memref_slice %arg15[%add3A_182, %dma_start3A_196] : memref<10240x64xf32, #tpu.memory_space<vmem_shared>> -> memref<128x64xf32, #tpu.memory_space<vmem_shared>>
      tpu.enqueue_dma source(%dma_start3A_197 : memref<128x64xf32, #tpu.memory_space<vmem_shared>>) target(%dma_start3A_195 : memref<128x64xf32, #tpu.memory_space<vmem>>) target_semaphore(%run_scoped3A_187 : memref<!tpu.dma_semaphore, #tpu.memory_space<semaphore_mem>>)
      %dma_wait3A_198 = arith.constant 0 : i32
      %dma_wait3A_199 = arith.constant 0 : i32
      %dma_wait3A_200 = tpu.memref_slice %arg12[%dma_wait3A_198, %dma_wait3A_199] : memref<320x64xf32, #tpu.memory_space<vmem>> -> memref<128x64xf32, #tpu.memory_space<vmem>>
      %dma_wait3A_201 = arith.constant 0 : i32
      %dma_wait3A_202 = tpu.memref_slice %arg15[%add3A_182, %dma_wait3A_201] : memref<10240x64xf32, #tpu.memory_space<vmem_shared>> -> memref<128x64xf32, #tpu.memory_space<vmem_shared>>
      %dma_wait3A_203 = arith.constant 0 : i32
      %dma_wait3A_204 = arith.constant 0 : i32
      %dma_wait3A_205 = tpu.memref_slice %arg12[%dma_wait3A_203, %dma_wait3A_204] : memref<320x64xf32, #tpu.memory_space<vmem>> -> memref<128x64xf32, #tpu.memory_space<vmem>>
      %dma_wait3A_206 = arith.constant 0 : i32
      %dma_wait3A_207 = tpu.memref_slice %arg15[%add3A_182, %dma_wait3A_206] : memref<10240x64xf32, #tpu.memory_space<vmem_shared>> -> memref<128x64xf32, #tpu.memory_space<vmem_shared>>
      tpu.wait_dma2 semaphore(%run_scoped3A_187 : memref<!tpu.dma_semaphore, #tpu.memory_space<semaphore_mem>>) src(%dma_wait3A_207 : memref<128x64xf32, #tpu.memory_space<vmem_shared>>) dst(%dma_wait3A_205 : memref<128x64xf32, #tpu.memory_space<vmem>>)
      tpu.yield
    }) : () -> ()
    "tpu.region"() ({
      %run_scoped3A_187 = tpu.sem_alloc : memref<!tpu.dma_semaphore, #tpu.memory_space<semaphore_mem>>
      %dma_start3A_188 = arith.constant 0 : i32
      %dma_start3A_189 = arith.constant 0 : i32
      %dma_start3A_190 = tpu.memref_slice %arg12[%dma_start3A_188, %dma_start3A_189] : memref<320x64xf32, #tpu.memory_space<vmem>> -> memref<128x64xf32, #tpu.memory_space<vmem>>
      %dma_start3A_191 = arith.constant 384 : i32
      %dma_start3A_192 = tpu.memref_slice %arg14[%dma_start3A_191] : memref<640xi32, #tpu.memory_space<vmem>> -> memref<128xi32, #tpu.memory_space<vmem>>
      %dma_start3A_193 = arith.constant 0 : i32
      %dma_start3A_194 = arith.constant 0 : i32
      %dma_start3A_195 = tpu.memref_slice %arg9[%dma_start3A_193, %dma_start3A_194] : memref<20480x64xf32, #tpu.memory_space<hbm>> -> memref<20480x64xf32, #tpu.memory_space<hbm>>
      tpu.enqueue_indirect_dma source(%dma_start3A_190 : memref<128x64xf32, #tpu.memory_space<vmem>>) target(%dma_start3A_195 : memref<20480x64xf32, #tpu.memory_space<hbm>>) offsets(%dma_start3A_192 : memref<128xi32, #tpu.memory_space<vmem>>) semaphore(%run_scoped3A_187 : memref<!tpu.dma_semaphore, #tpu.memory_space<semaphore_mem>>)
      %dma_wait3A_196 = arith.constant 0 : i32
      %dma_wait3A_197 = arith.constant 0 : i32
      %dma_wait3A_198 = tpu.memref_slice %arg12[%dma_wait3A_196, %dma_wait3A_197] : memref<320x64xf32, #tpu.memory_space<vmem>> -> memref<128x64xf32, #tpu.memory_space<vmem>>
      %dma_wait3A_199 = arith.constant 384 : i32
      %dma_wait3A_200 = tpu.memref_slice %arg14[%dma_wait3A_199] : memref<640xi32, #tpu.memory_space<vmem>> -> memref<128xi32, #tpu.memory_space<vmem>>
      %dma_wait3A_201 = arith.constant 0 : i32
      %dma_wait3A_202 = arith.constant 0 : i32
      %dma_wait3A_203 = tpu.memref_slice %arg9[%dma_wait3A_201, %dma_wait3A_202] : memref<20480x64xf32, #tpu.memory_space<hbm>> -> memref<20480x64xf32, #tpu.memory_space<hbm>>
      tpu.wait_indirect_dma semaphore(%run_scoped3A_187 : memref<!tpu.dma_semaphore, #tpu.memory_space<semaphore_mem>>) src(%dma_wait3A_198 : memref<128x64xf32, #tpu.memory_space<vmem>>) dst(%dma_wait3A_203 : memref<20480x64xf32, #tpu.memory_space<hbm>>)
      tpu.yield
    }) : () -> ()
    %mul3A_183 = arith.constant 640 : i32
    %mul3A_184 = arith.muli %arg1, %mul3A_183 : i32
    %add3A_185 = arith.constant 512 : i32
    %add3A_186 = arith.addi %mul3A_184, %add3A_185 : i32
    "tpu.region"() ({
      %run_scoped3A_187 = tpu.sem_alloc : memref<!tpu.dma_semaphore, #tpu.memory_space<semaphore_mem>>
      %dma_start3A_188 = arith.constant 0 : i32
      %dma_start3A_189 = arith.constant 0 : i32
      %dma_start3A_190 = tpu.memref_slice %arg12[%dma_start3A_188, %dma_start3A_189] : memref<320x64xf32, #tpu.memory_space<vmem>> -> memref<128x64xf32, #tpu.memory_space<vmem>>
      %dma_start3A_191 = arith.constant 0 : i32
      %dma_start3A_192 = tpu.memref_slice %arg15[%add3A_186, %dma_start3A_191] : memref<10240x64xf32, #tpu.memory_space<vmem_shared>> -> memref<128x64xf32, #tpu.memory_space<vmem_shared>>
      %dma_start3A_193 = arith.constant 0 : i32
      %dma_start3A_194 = arith.constant 0 : i32
      %dma_start3A_195 = tpu.memref_slice %arg12[%dma_start3A_193, %dma_start3A_194] : memref<320x64xf32, #tpu.memory_space<vmem>> -> memref<128x64xf32, #tpu.memory_space<vmem>>
      %dma_start3A_196 = arith.constant 0 : i32
      %dma_start3A_197 = tpu.memref_slice %arg15[%add3A_186, %dma_start3A_196] : memref<10240x64xf32, #tpu.memory_space<vmem_shared>> -> memref<128x64xf32, #tpu.memory_space<vmem_shared>>
      tpu.enqueue_dma source(%dma_start3A_197 : memref<128x64xf32, #tpu.memory_space<vmem_shared>>) target(%dma_start3A_195 : memref<128x64xf32, #tpu.memory_space<vmem>>) target_semaphore(%run_scoped3A_187 : memref<!tpu.dma_semaphore, #tpu.memory_space<semaphore_mem>>)
      %dma_wait3A_198 = arith.constant 0 : i32
      %dma_wait3A_199 = arith.constant 0 : i32
      %dma_wait3A_200 = tpu.memref_slice %arg12[%dma_wait3A_198, %dma_wait3A_199] : memref<320x64xf32, #tpu.memory_space<vmem>> -> memref<128x64xf32, #tpu.memory_space<vmem>>
      %dma_wait3A_201 = arith.constant 0 : i32
      %dma_wait3A_202 = tpu.memref_slice %arg15[%add3A_186, %dma_wait3A_201] : memref<10240x64xf32, #tpu.memory_space<vmem_shared>> -> memref<128x64xf32, #tpu.memory_space<vmem_shared>>
      %dma_wait3A_203 = arith.constant 0 : i32
      %dma_wait3A_204 = arith.constant 0 : i32
      %dma_wait3A_205 = tpu.memref_slice %arg12[%dma_wait3A_203, %dma_wait3A_204] : memref<320x64xf32, #tpu.memory_space<vmem>> -> memref<128x64xf32, #tpu.memory_space<vmem>>
      %dma_wait3A_206 = arith.constant 0 : i32
      %dma_wait3A_207 = tpu.memref_slice %arg15[%add3A_186, %dma_wait3A_206] : memref<10240x64xf32, #tpu.memory_space<vmem_shared>> -> memref<128x64xf32, #tpu.memory_space<vmem_shared>>
      tpu.wait_dma2 semaphore(%run_scoped3A_187 : memref<!tpu.dma_semaphore, #tpu.memory_space<semaphore_mem>>) src(%dma_wait3A_207 : memref<128x64xf32, #tpu.memory_space<vmem_shared>>) dst(%dma_wait3A_205 : memref<128x64xf32, #tpu.memory_space<vmem>>)
      tpu.yield
    }) : () -> ()
    "tpu.region"() ({
      %run_scoped3A_187 = tpu.sem_alloc : memref<!tpu.dma_semaphore, #tpu.memory_space<semaphore_mem>>
      %dma_start3A_188 = arith.constant 0 : i32
      %dma_start3A_189 = arith.constant 0 : i32
      %dma_start3A_190 = tpu.memref_slice %arg12[%dma_start3A_188, %dma_start3A_189] : memref<320x64xf32, #tpu.memory_space<vmem>> -> memref<128x64xf32, #tpu.memory_space<vmem>>
      %dma_start3A_191 = arith.constant 512 : i32
      %dma_start3A_192 = tpu.memref_slice %arg14[%dma_start3A_191] : memref<640xi32, #tpu.memory_space<vmem>> -> memref<128xi32, #tpu.memory_space<vmem>>
      %dma_start3A_193 = arith.constant 0 : i32
      %dma_start3A_194 = arith.constant 0 : i32
      %dma_start3A_195 = tpu.memref_slice %arg9[%dma_start3A_193, %dma_start3A_194] : memref<20480x64xf32, #tpu.memory_space<hbm>> -> memref<20480x64xf32, #tpu.memory_space<hbm>>
      tpu.enqueue_indirect_dma source(%dma_start3A_190 : memref<128x64xf32, #tpu.memory_space<vmem>>) target(%dma_start3A_195 : memref<20480x64xf32, #tpu.memory_space<hbm>>) offsets(%dma_start3A_192 : memref<128xi32, #tpu.memory_space<vmem>>) semaphore(%run_scoped3A_187 : memref<!tpu.dma_semaphore, #tpu.memory_space<semaphore_mem>>)
      %dma_wait3A_196 = arith.constant 0 : i32
      %dma_wait3A_197 = arith.constant 0 : i32
      %dma_wait3A_198 = tpu.memref_slice %arg12[%dma_wait3A_196, %dma_wait3A_197] : memref<320x64xf32, #tpu.memory_space<vmem>> -> memref<128x64xf32, #tpu.memory_space<vmem>>
      %dma_wait3A_199 = arith.constant 512 : i32
      %dma_wait3A_200 = tpu.memref_slice %arg14[%dma_wait3A_199] : memref<640xi32, #tpu.memory_space<vmem>> -> memref<128xi32, #tpu.memory_space<vmem>>
      %dma_wait3A_201 = arith.constant 0 : i32
      %dma_wait3A_202 = arith.constant 0 : i32
      %dma_wait3A_203 = tpu.memref_slice %arg9[%dma_wait3A_201, %dma_wait3A_202] : memref<20480x64xf32, #tpu.memory_space<hbm>> -> memref<20480x64xf32, #tpu.memory_space<hbm>>
      tpu.wait_indirect_dma semaphore(%run_scoped3A_187 : memref<!tpu.dma_semaphore, #tpu.memory_space<semaphore_mem>>) src(%dma_wait3A_198 : memref<128x64xf32, #tpu.memory_space<vmem>>) dst(%dma_wait3A_203 : memref<20480x64xf32, #tpu.memory_space<hbm>>)
      tpu.yield
    }) : () -> ()
    return
  }
}

module attributes {stable_mosaic.version = 14 : i64} {
  func.func @_mm_body(%arg0: memref<10000x128xf32, #tpu.memory_space<vmem>>, %arg1: memref<128x128xf32, #tpu.memory_space<vmem>>, %arg2: memref<10000x128xf32, #tpu.memory_space<vmem>>, %arg3: memref<1x128xf32, #tpu.memory_space<vmem>>) attributes {dimension_semantics = [], scalar_prefetch = 0 : i64, scratch_operands = 0 : i64, tpu.core_type = #tpu.core_type<tc>} {
    %get3A = arith.constant 0 : index
    %get3A_0 = arith.constant 0 : index
    %get3A_1 = vector.load %arg0[%get3A, %get3A_0] : memref<10000x128xf32, #tpu.memory_space<vmem>>, vector<10000x128xf32>
    %get3A_2 = arith.constant 0 : index
    %get3A_3 = arith.constant 0 : index
    %get3A_4 = vector.load %arg1[%get3A_2, %get3A_3] : memref<128x128xf32, #tpu.memory_space<vmem>>, vector<128x128xf32>
    %dot_general3A = arith.constant dense<0.000000e+00> : vector<10000x128xf32>
    %dot_general3A_5 = tpu.matmul %get3A_1, %get3A_4, %dot_general3A {dimension_numbers = #tpu.dot_dimension_numbers<[1], [0], [0], [1], [0, 0, 1, 1], [], []>, transpose_lhs_hint = false} : vector<10000x128xf32>, vector<128x128xf32>, vector<10000x128xf32> -> vector<10000x128xf32>
    %swap3A = arith.constant 0 : index
    %swap3A_6 = arith.constant 0 : index
    %swap3A_7 = vector.load %arg2[%swap3A, %swap3A_6] : memref<10000x128xf32, #tpu.memory_space<vmem>>, vector<10000x128xf32>
    tpu.vector_store %arg2[%swap3A, %swap3A_6], %dot_general3A_5 {strides = array<i32>} : memref<10000x128xf32, #tpu.memory_space<vmem>>, vector<10000x128xf32>,
    %get3A_8 = arith.constant 0 : index
    %get3A_9 = arith.constant 0 : index
    %get3A_10 = vector.load %arg0[%get3A_8, %get3A_9] : memref<10000x128xf32, #tpu.memory_space<vmem>>, vector<10000x128xf32>
    %reduce_sum3A = arith.constant dense<0.000000e+00> : vector<128xf32>
    %reduce_sum3A_11 = vector.multi_reduction <add>, %get3A_10, %reduce_sum3A [0] : vector<10000x128xf32> to vector<128xf32>
    %broadcast_in_dim3A = vector.shape_cast %reduce_sum3A_11 : vector<128xf32> to vector<1x128xf32>
    %swap3A_12 = arith.constant 0 : index
    %swap3A_13 = arith.constant 0 : index
    %swap3A_14 = vector.load %arg3[%swap3A_12, %swap3A_13] : memref<1x128xf32, #tpu.memory_space<vmem>>, vector<1x128xf32>
    tpu.vector_store %arg3[%swap3A_12, %swap3A_13], %broadcast_in_dim3A {strides = array<i32>} : memref<1x128xf32, #tpu.memory_space<vmem>>, vector<1x128xf32>,
    return
  }
}

module attributes {stable_mosaic.version = 14 : i64} {
  func.func @_scale_body(%arg0: memref<10000x128xf32, #tpu.memory_space<vmem>>, %arg1: memref<10000x1xf32, #tpu.memory_space<vmem>>, %arg2: memref<10000x128xf32, #tpu.memory_space<vmem>>) attributes {dimension_semantics = [], scalar_prefetch = 0 : i64, scratch_operands = 0 : i64, tpu.core_type = #tpu.core_type<tc>} {
    %get3A = arith.constant 0 : index
    %get3A_0 = arith.constant 0 : index
    %get3A_1 = vector.load %arg0[%get3A, %get3A_0] : memref<10000x128xf32, #tpu.memory_space<vmem>>, vector<10000x128xf32>
    %get3A_2 = arith.constant 0 : index
    %get3A_3 = arith.constant 0 : index
    %get3A_4 = vector.load %arg1[%get3A_2, %get3A_3] : memref<10000x1xf32, #tpu.memory_space<vmem>>, vector<10000x1xf32>
    %mul3A = vector.broadcast %get3A_4 : vector<10000x1xf32> to vector<10000x128xf32>
    %mul3A_5 = arith.mulf %get3A_1, %mul3A : vector<10000x128xf32>
    %swap3A = arith.constant 0 : index
    %swap3A_6 = arith.constant 0 : index
    %swap3A_7 = vector.load %arg2[%swap3A, %swap3A_6] : memref<10000x128xf32, #tpu.memory_space<vmem>>, vector<10000x128xf32>
    tpu.vector_store %arg2[%swap3A, %swap3A_6], %mul3A_5 {strides = array<i32>} : memref<10000x128xf32, #tpu.memory_space<vmem>>, vector<10000x128xf32>,
    return
  }
}

module attributes {stable_mosaic.version = 14 : i64} {
  func.func @_fin_body(%arg0: memref<10240x128xf32, #tpu.memory_space<vmem>>, %arg1: memref<32x10240xf32, #tpu.memory_space<vmem>>, %arg2: memref<10000x1xf32, #tpu.memory_space<vmem>>, %arg3: memref<1x10000xf32, #tpu.memory_space<vmem>>, %arg4: memref<1x128xf32, #tpu.memory_space<vmem>>, %arg5: memref<1x128xf32, #tpu.memory_space<vmem>>, %arg6: memref<128x128xf32, #tpu.memory_space<vmem>>, %arg7: memref<1x128xf32, #tpu.memory_space<vmem>>, %arg8: memref<128x128xf32, #tpu.memory_space<vmem>>, %arg9: memref<1x128xf32, #tpu.memory_space<vmem>>, %arg10: memref<1x128xf32, #tpu.memory_space<vmem>>) attributes {dimension_semantics = [], scalar_prefetch = 0 : i64, scratch_operands = 0 : i64, tpu.core_type = #tpu.core_type<tc>} {
    %get3A = arith.constant 0 : index
    %get3A_0 = arith.constant 0 : index
    %get3A_1 = vector.load %arg0[%get3A, %get3A_0] : memref<10240x128xf32, #tpu.memory_space<vmem>>, vector<10000x128xf32>
    %get3A_2 = arith.constant 0 : index
    %get3A_3 = arith.constant 0 : index
    %get3A_4 = vector.load %arg2[%get3A_2, %get3A_3] : memref<10000x1xf32, #tpu.memory_space<vmem>>, vector<10000x1xf32>
    %mul3A = vector.broadcast %get3A_4 : vector<10000x1xf32> to vector<10000x128xf32>
    %mul3A_5 = arith.mulf %get3A_1, %mul3A : vector<10000x128xf32>
    %get3A_6 = arith.constant 0 : index
    %get3A_7 = arith.constant 0 : index
    %get3A_8 = vector.load %arg5[%get3A_6, %get3A_7] : memref<1x128xf32, #tpu.memory_space<vmem>>, vector<1x128xf32>
    %add3A = vector.broadcast %get3A_8 : vector<1x128xf32> to vector<10000x128xf32>
    %add3A_9 = arith.addf %mul3A_5, %add3A : vector<10000x128xf32>
    %max3A = arith.constant 0.000000e+00 : f32
    %max3A_10 = vector.broadcast %max3A : f32 to vector<10000x128xf32>
    %max3A_11 = arith.maximumf %add3A_9, %max3A_10 : vector<10000x128xf32>
    %get3A_12 = arith.constant 0 : index
    %get3A_13 = arith.constant 0 : index
    %get3A_14 = vector.load %arg1[%get3A_12, %get3A_13] : memref<32x10240xf32, #tpu.memory_space<vmem>>, vector<32x10240xf32>
    %reduce_sum3A = arith.constant dense<0.000000e+00> : vector<10240xf32>
    %reduce_sum3A_15 = vector.multi_reduction <add>, %get3A_14, %reduce_sum3A [0] : vector<32x10240xf32> to vector<10240xf32>
    %broadcast_in_dim3A = vector.shape_cast %reduce_sum3A_15 : vector<10240xf32> to vector<1x10240xf32>
    %slice3A = vector.extract_strided_slice %broadcast_in_dim3A {offsets = [0, 0], sizes = [1, 10000], strides = [1, 1]} : vector<1x10240xf32> to vector<1x10000xf32>
    %mul3A_16 = arith.constant 5.000000e-01 : f32
    %mul3A_17 = vector.broadcast %mul3A_16 : f32 to vector<1x10000xf32>
    %mul3A_18 = arith.mulf %mul3A_17, %slice3A : vector<1x10000xf32>
    %get3A_19 = arith.constant 0 : index
    %get3A_20 = arith.constant 0 : index
    %get3A_21 = vector.load %arg3[%get3A_19, %get3A_20] : memref<1x10000xf32, #tpu.memory_space<vmem>>, vector<1x10000xf32>
    %mul3A_22 = arith.mulf %get3A_21, %mul3A_18 : vector<1x10000xf32>
    %dot_general3A = arith.constant dense<0.000000e+00> : vector<1x128xf32>
    %dot_general3A_23 = tpu.matmul %mul3A_22, %max3A_11, %dot_general3A {dimension_numbers = #tpu.dot_dimension_numbers<[1], [0], [0], [1], [0, 0, 1, 1], [], []>, transpose_lhs_hint = false} : vector<1x10000xf32>, vector<10000x128xf32>, vector<1x128xf32> -> vector<1x128xf32>
    %get3A_24 = arith.constant 0 : index
    %get3A_25 = arith.constant 0 : index
    %get3A_26 = vector.load %arg4[%get3A_24, %get3A_25] : memref<1x128xf32, #tpu.memory_space<vmem>>, vector<1x128xf32>
    %get3A_27 = arith.constant 0 : index
    %get3A_28 = arith.constant 0 : index
    %get3A_29 = vector.load %arg6[%get3A_27, %get3A_28] : memref<128x128xf32, #tpu.memory_space<vmem>>, vector<128x128xf32>
    %dot_general3A_30 = arith.constant dense<0.000000e+00> : vector<1x128xf32>
    %dot_general3A_31 = tpu.matmul %dot_general3A_23, %get3A_29, %dot_general3A_30 {dimension_numbers = #tpu.dot_dimension_numbers<[1], [0], [0], [1], [0, 0, 1, 1], [], []>, transpose_lhs_hint = false} : vector<1x128xf32>, vector<128x128xf32>, vector<1x128xf32> -> vector<1x128xf32>
    %get3A_32 = arith.constant 0 : index
    %get3A_33 = arith.constant 0 : index
    %get3A_34 = vector.load %arg8[%get3A_32, %get3A_33] : memref<128x128xf32, #tpu.memory_space<vmem>>, vector<128x128xf32>
    %dot_general3A_35 = arith.constant dense<0.000000e+00> : vector<1x128xf32>
    %dot_general3A_36 = tpu.matmul %get3A_26, %get3A_34, %dot_general3A_35 {dimension_numbers = #tpu.dot_dimension_numbers<[1], [0], [0], [1], [0, 0, 1, 1], [], []>, transpose_lhs_hint = false} : vector<1x128xf32>, vector<128x128xf32>, vector<1x128xf32> -> vector<1x128xf32>
    %add3A_37 = arith.addf %dot_general3A_31, %dot_general3A_36 : vector<1x128xf32>
    %mul3A_38 = arith.constant 9.99999974E-5 : f32
    %mul3A_39 = vector.broadcast %mul3A_38 : f32 to vector<1x128xf32>
    %mul3A_40 = arith.mulf %add3A_37, %mul3A_39 : vector<1x128xf32>
    %get3A_41 = arith.constant 0 : index
    %get3A_42 = arith.constant 0 : index
    %get3A_43 = vector.load %arg7[%get3A_41, %get3A_42] : memref<1x128xf32, #tpu.memory_space<vmem>>, vector<1x128xf32>
    %add3A_44 = arith.addf %mul3A_40, %get3A_43 : vector<1x128xf32>
    %get3A_45 = arith.constant 0 : index
    %get3A_46 = arith.constant 0 : index
    %get3A_47 = vector.load %arg9[%get3A_45, %get3A_46] : memref<1x128xf32, #tpu.memory_space<vmem>>, vector<1x128xf32>
    %add3A_48 = arith.addf %add3A_44, %get3A_47 : vector<1x128xf32>
    %swap3A = arith.constant 0 : index
    %swap3A_49 = arith.constant 0 : index
    %swap3A_50 = vector.load %arg10[%swap3A, %swap3A_49] : memref<1x128xf32, #tpu.memory_space<vmem>>, vector<1x128xf32>
    tpu.vector_store %arg10[%swap3A, %swap3A_49], %add3A_48 {strides = array<i32>} : memref<1x128xf32, #tpu.memory_space<vmem>>, vector<1x128xf32>,
    return
  }
}

</mosaic_0001>

<sc_bundles>
// kernel: kernel.10.cloned.1.call-start
scs
__scs_entry_jumppad:
0x0: {  	(pc) =	sbr.rel $0x88, $3  }
0x1: {  	(tag) =	ssettag $0x0;
	lr =	simm.s32 $0x1  }
0x2: {  	[smem:$0x3F99] =	sst lr;
	_ =	strace $0xD0000000  }
0x3: {  	_ = 	snop  }
0x4: {  	_ = 	snop  }
0x5: {  	_ = 	snop  }
0x6: {  	_ = 	snop  }
0x7: {  	_ = 	snop  }
__scs_overlays_trampoline_lowered:
0x8: {  	[smem:$0x3FA8] =	sst s0  }
0x9: {  	[smem:$0x3FA9] =	sst s1  }
0xa: {  	[smem:$0x3FAA] =	sst s2  }
0xb: {  	[smem:$0x3FAB] =	sst s3  }
0xc: {  	[smem:$0x3FAC] =	sst s4  }
0xd: {  	[smem:$0x3FAD] =	sst s5  }
0xe: {  	[smem:$0x3FAE] =	sst s6  }
0xf: {  	[smem:$0x3FAF] =	sst s7  }
0x10: {  	[smem:$0x3FB0] =	sst s8  }
0x11: {  	[smem:$0x3FB1] =	sst s9;
	s0 =	simm.s32 @!p0 $0x0  }
0x12: {  	s1 =	sld [smem:$0x3F97];
	s0 =	simm.s32 @p0 $0x1  }
0x13: {  	[smem:$0x3FB2] =	sst s0;
	s0 =	simm.s32 @!p1 $0x0  }
0x14: {  	s2 =	sld [smem:$0x3F96];
	s0 =	simm.s32 @p1 $0x1  }
0x15: {  	[smem:$0x3FB3] =	sst s0;
	s0 =	simm.s32 @!p2 $0x0  }
0x16: {  	s3 =	sld [smem:$0x3FDB];
	s0 =	simm.s32 @p2 $0x1  }
0x17: {  	s4 =	simm.s32 $0x1BF5;
	[smem:$0x3FB5] =	sst s0  }
0x18: {  	s0 =	sld [smem:$0x3F98];
	_ =	swait.ge [sflag:s4], $0x0  }
0x19: {  	s7 =	sld [smem:$0x3F99]  }
0x1a: {  	s8 =	sadd.s32 $0xFFFFE003, lr  }
0x1b: {  	s9 =	sadd.s32 $0xFFFFFEF7, lr;
	s5 =	simm.s32 $0xFFFFFFFF;
	p2 =	slt.u32 s8, $0xFFFFF086  }
0x1c: {  	p1 =	slt.u32 s9, $0xF7A;
	s5 =	simm.s32 @!p2 $0x0  }
0x1d: {  	s5 =	simm.s32 @p1 $0x1;
	p0 =	seq.s32 s7, s2  }
0x1e: {  	s7 =	smul.u32 @!p0 $0xF7A, s2;
	p2 =	seq.s32 @!p0 s5, $0x0  }
0x1f: {  	s9 =	smul.u32 $0xF7A, s1;
	s8 =	simm.s32 @!p0 $0x1BF5;
	p2 =	por !p2, p0  }
0x20: {  	[sflag:s8] =	ssyncset.s32 @!p0 $0xFFFFF086;
	s6 =	sadd.s32 @!p0 s3, s7;
	s7 =	simm.s32 @!p0 $0x108  }
0x21: {  	s3 =	sadd.s32 s3, s9;
	s6 =	sadd.s32 @!p0 $0x88, s6;
	s7 =	simm.s32 @p2 $0x1082  }
0x22: {  	[simem:s7], [sflag:s8] =	dma.local @!p0 [hbm:s6], $0xF7A  }
0x23: {  	s9 =	sor.u32 $0xD0000000, s2;
	s6 =	simm.s32 $0x108;
	_ =	swait.ge @!p0 [sflag:s8], $0x0  }
0x24: {  	s3 =	sadd.s32 $0x88, s3;
	s6 =	simm.s32 @!p1 $0x1082;
	[sflag:s4] =	ssyncset.s32 $0xFFFFF086  }
0x25: {  	[simem:s6], [sflag:s4] =	dma.local [hbm:s3], $0xF7A  }
0x26: {  	[smem:$0x3F99] =	sst s1;
	(tag) =	ssettag s2;
	_ =	strace s9  }
0x27: {  	s1 =	sld [smem:$0x3FA9]  }
0x28: {  	s2 =	sld [smem:$0x3FAA]  }
0x29: {  	s4 =	sld [smem:$0x3FAC]  }
0x2a: {  	p0 =	seq.s32 s5, $0x0;
	s5 =	sld [smem:$0x3FAD]  }
0x2b: {  	s6 =	sld [smem:$0x3FAE]  }
0x2c: {  	s7 =	sld [smem:$0x3FAF]  }
0x2d: {  	s3 =	simm.s32 $0x108;
	s8 =	sld [smem:$0x3FB0]  }
0x2e: {  	s3 =	simm.s32 @!p0 $0x1082;
	s9 =	sld [smem:$0x3FB1]  }
0x2f: {  	lr =	sadd.s32 s0, s3;
	s0 =	sld [smem:$0x3FA8]  }
0x30: {  	s3 =	sld [smem:$0x3FAB]  }
0x31: {  	[smem:$0x3FB4] =	sst s10  }
0x32: {  	s10 =	sld [smem:$0x3FB2];
	_ =	sdelay $0x3  }
0x33: {  	p0 =	seq.s32 s10, $0x1;
	s10 =	sld [smem:$0x3FB4];
	_ =	sdelay $0x3  }
0x34: {  	[smem:$0x3FB4] =	sst s10  }
0x35: {  	s10 =	sld [smem:$0x3FB3];
	_ =	sdelay $0x3  }
0x36: {  	p1 =	seq.s32 s10, $0x1;
	s10 =	sld [smem:$0x3FB4];
	_ =	sdelay $0x3  }
0x37: {  	[smem:$0x3FB4] =	sst s10  }
0x38: {  	s10 =	sld [smem:$0x3FB5]  }
0x39: {  	_ = 	snop;
	(pc) =	sbr.ind lr, $3  }
0x3a: {  	_ = 	snop  }
0x3b: {  	_ = 	snop  }
0x3c: {  	p2 =	seq.s32 s10, $0x1;
	s10 =	sld [smem:$0x3FB4]  }
0x3d: {  	_ =	shalt  }
0x3e: {  	_ =	shalt  }
0x3f: {  	_ =	shalt  }
0x40: {  	_ =	shalt  }
0x41: {  	_ =	shalt  }
0x42: {  	_ =	shalt  }
0x43: {  	_ =	shalt  }
0x44: {  	_ =	shalt  }
0x45: {  	_ =	shalt  }
0x46: {  	_ =	shalt  }
0x47: {  	_ =	shalt  }
0x48: {  	_ =	shalt  }
0x49: {  	_ =	shalt  }
0x4a: {  	_ =	shalt  }
0x4b: {  	_ =	shalt  }
0x4c: {  	_ =	shalt  }
0x4d: {  	_ =	shalt  }
0x4e: {  	_ =	shalt  }
0x4f: {  	_ =	shalt  }
0x50: {  	_ =	shalt  }
0x51: {  	_ =	shalt  }
0x52: {  	_ =	shalt  }
0x53: {  	_ =	shalt  }
0x54: {  	_ =	shalt  }
0x55: {  	_ =	shalt  }
0x56: {  	_ =	shalt  }
0x57: {  	_ =	shalt  }
0x58: {  	_ =	shalt  }
0x59: {  	_ =	shalt  }
0x5a: {  	_ =	shalt  }
0x5b: {  	_ =	shalt  }
0x5c: {  	_ =	shalt  }
0x5d: {  	_ =	shalt  }
0x5e: {  	_ =	shalt  }
0x5f: {  	_ =	shalt  }
0x60: {  	_ =	shalt  }
0x61: {  	_ =	shalt  }
0x62: {  	_ =	shalt  }
0x63: {  	_ =	shalt  }
0x64: {  	_ =	shalt  }
0x65: {  	_ =	shalt  }
0x66: {  	_ =	shalt  }
0x67: {  	_ =	shalt  }
0x68: {  	_ =	shalt  }
0x69: {  	_ =	shalt  }
0x6a: {  	_ =	shalt  }
0x6b: {  	_ =	shalt  }
0x6c: {  	_ =	shalt  }
0x6d: {  	_ =	shalt  }
0x6e: {  	_ =	shalt  }
0x6f: {  	_ =	shalt  }
0x70: {  	_ =	shalt  }
0x71: {  	_ =	shalt  }
0x72: {  	_ =	shalt  }
0x73: {  	_ =	shalt  }
0x74: {  	_ =	shalt  }
0x75: {  	_ =	shalt  }
0x76: {  	_ =	shalt  }
0x77: {  	_ =	shalt  }
0x78: {  	_ =	shalt  }
0x79: {  	_ =	shalt  }
0x7a: {  	_ =	shalt  }
0x7b: {  	_ =	shalt  }
0x7c: {  	_ =	shalt  }
0x7d: {  	_ =	shalt  }
0x7e: {  	_ =	shalt  }
0x7f: {  	_ =	shalt  }
0x80: {  	_ =	shalt  }
0x81: {  	_ =	shalt  }
0x82: {  	_ =	shalt  }
0x83: {  	_ =	shalt  }
0x84: {  	_ =	shalt  }
0x85: {  	_ =	shalt  }
0x86: {  	_ =	shalt  }
0x87: {  	_ =	shalt  }
.Lfunc_end0:
.L_simem_size_0:
called_computation.1_lowered:
.L_overlay_start_0:
0x88: {  	s2 =	sld [smem:$0x3FD9]  }
0x89: {  	s3 =	sld [smem:$0x3FFE];
	_ =	sdelay $0x1  }
0x8a: {  	s1 =	srdreg.scid  }
0x8b: {  	s0 =	sand.u32 $0x1, s1  }
0x8c: {  	s16 =	sshll.u32 s0, $0xA;
	s2 =	sadd.s32 s3, s2  }
0x8d: {  	s2 =	sadd.s32 s2, s16  }
0x8e: {  	[smem:$0x3FC0] =	sst s2  }
0x8f: {  	_ = 	snop  }
0x90: {  	(tm) =	ssettm $0x1  }
0x91: {  	s17 =	sld [smem:$0x3FFB];
	_ =	sdelay $0x3  }
0x92: {  	_ =	strace s17  }
0x93: {  	s2 =	sld [smem:$0x3FFC];
	_ =	sdelay $0x3  }
0x94: {  	_ =	strace s2  }
0x95: {  	s2 =	sld [smem:$0x3FFD];
	_ =	sdelay $0x3  }
0x96: {  	_ =	strace s2  }
0x97: {  	_ =	strace $0x8FFFFFFF  }
0x98: {  	s18 =	sld [smem:$0x3FDB];
	_ =	sdelay $0x1  }
0x99: {  	s19 =	simm.s32 $_scs_section_size  }
0x9a: {  	s4 =	simm.s32 $_size__tile_overlayer_lowered;
	s5 =	simm.s32 $_tile_overlayer_lowered  }
0x9b: {  	s22 =	simm.s32 $0x1BFF;
	s21 =	sshll.u32 s5, $0x1;
	s2 =	sadd.s32 s19, s18  }
0x9c: {  	s6 =	simm.s32 $0x0;
	s20 =	sshll.u32 s4, $0x1;
	s4 =	sadd.s32 s21, s2  }
0x9d: {  	[timem:s6], [sflag:s22] =	dma.local [hbm:s4], s20  }
0x9e: {  	_ =	swait.ge [sflag:s22], s20  }
0x9f: {  	s3 =	ssub.s32 $0x0, s20;
	[sflag:s22] =	ssyncset.done $0x0  }
0xa0: {  	[sflag:s22] =	ssyncadd.s32 s3;
	_ =	sdelay $0x1  }
0xa1: {  	s23 =	simm.s32 $0x1B8B  }
0xa2: {  	_ =	swait.ge [sflag:s23], $0x1  }
0xa3: {  	[sflag:s23] =	ssyncset.done $0x0  }
0xa4: {  	s25 =	simm.s32 $0x1B8E;
	s24 =	sld [smem:$0x3FFE];
	[sflag:s23] =	ssyncadd.s32 $0xFFFFFFFF  }
0xa5: {  	s26 =	simm.s32 $execute0_lowered;
	[smem:$0x3FD2] =	sst s25  }
0xa6: {  	s4 =	sshll.u32 s26, $0x1;
	_ =	strace $0x80000049;
	[dreg:$0x1] =	wrdreg $0xFFFFFFFF  }
0xa7: {  	s28 =	simm.s32 $_size_execute0_lowered;
	s2 =	sadd.s32 s2, s4;
	[dreg:$0x0] =	wrdreg $0x0  }
0xa8: {  	s4 =	sshll.u32 s28, $0x1;
	[dreg:$0x2] =	wrdreg s2  }
0xa9: {  	[dreg:$0x3] =	wrdreg s4  }
0xaa: {  	[dreg:$0x4] =	wrdreg $0xC0  }
0xab: {  	_ =	task [dreg:s6], $0x5FFFF  }
0xac: {  	[dreg:$0x1] =	wrdreg $0xFFFFFFFF  }
0xad: {  	[dreg:$0x0] =	wrdreg $0x60  }
0xae: {  	[dreg:$0x2] =	wrdreg s24  }
0xaf: {  	[dreg:$0x3] =	wrdreg $0x13EC00  }
0xb0: {  	[dreg:$0x4] =	wrdreg $0x9  }
0xb1: {  	_ =	task.clear_ibuf [dreg:s6], $0x5FFFF;
	_ =	strace $0x90000049  }
0xb2: {  	s29 =	simm.s32 $0x9;
	_ =	strace $0x8000004B  }
0xb3: {  	_ =	swait.ge [sflag:s29], $0x1  }
0xb4: {  	[sflag:s29] =	ssyncadd.s32 $0xFFFFFFFF  }
0xb5: {  	_ =	strace $0x9000004B  }
0xb6: {  	_ =	sfence  }
0xb7: {  	s30 =	sld [smem:$0x0];
	_ =	sdelay $0x2  }
0xb8: {  	s31 =	sshll.u32 s1, $0xD;
	s1 =	sshrl.u32 s1, $0x2  }
0xb9: {  	s3 =	sand.u32 $0x4000, s31;
	s1 =	sadd.s32 s1, s30  }
0xba: {  	s0 =	sor.u32 s3, s0;
	s1 =	sshll.u32 s1, $0x11  }
0xbb: {  	s0 =	sor.u32 s1, s0  }
0xbc: {  	s0 =	sadd.s32 $0x8F2B, s0  }
0xbd: {  	[sflag:s0] =	ssyncadd.remote.s32 $0x1  }
0xbe: {  	_ =	sfence.sel $0xFFFF  }
0xbf: {  	[dreg:$0x0] =	wrdreg $0xFFFFFFFF;
	(pc) =	sbr.abs _section_cstart, $3  }
0xc0: {  	[dreg:$0x1] =	wrdreg $0xFFFFFFFF  }
0xc1: {  	_ =	task.clear_ibuf [dreg:s6], $0x2FFFF;
	_ =	strace $0x9FFFFFFF  }
0xc2: {  	(tm) =	ssettm $0x7FFFFFFF  }
0xc3: {  	_ =	shalt  }
tec
execute0_lowered:
.L_overlay_start_1:
0x0: {  	(tag) =	ssettag $0x1  }
0x1: {  	s0 =	rddreg [dreg:$0x0]  }
0x2: {  	s1 =	rddreg [dreg:$0x1];
	s2 =	srdreg.scid  }
0x3: {  	s3 =	simm.s32 $0x0;
	s10 =	stileid.u32;
	s19 =	simm.s32 $0x5  }
0x4: {  	s28 =	simm.s32 $0x9C40;
	s29 =	simm.s32 $0xB040;
	s30 =	simm.s32 $0xC440  }
0x5: {  	s31 =	simm.s32 $0xD840;
	s2 =	sand.u32 $0x1, s2;
	s6 =	smul.u32 $0x280, s10  }
0x6: {  	[smem:$0x7FF] =	sst s3;
	s7 =	sadd.s32 $0x15C00, s0;
	s8 =	smul.u32 $0x4E20, s10  }
0x7: {  	s20 =	sadd.s32 $0x48A00, s0;
	s21 =	sadd.s32 $0x15600, s0;
	s11 =	smul.u32 $0x28000, s10  }
0x8: {  	s26 =	sshll.u32 s10, $0x6;
	_ =	strace $0x8000004A;
	[dreg:$0x3] =	wrdreg s7  }
0x9: {  	s4 =	smul.u32 $0x2800, s2;
	s5 =	sshll.u32 s2, $0x3;
	[dreg:$0x4] =	wrdreg s20  }
0xa: {  	[dreg:$0x5] =	wrdreg s21;
	s22 =	sshll.u32 s2, $0x4;
	s7 =	sadd.s32 $0x53E00, s0  }
0xb: {  	s2 =	ssub.s32 $0x2, s2;
	s21 =	simm.s32 $0x13C40;
	s20 =	simm.s32 $0x2  }
0xc: {  	s5 =	sadd.s32 s5, s0;
	s8 =	sshrl.u32 s8, $0x3;
	s9 =	sshrl.u32 s2, $0x1  }
0xd: {  	s25 =	sshrl.u32 s11, $0x2;
	s4 =	sadd.s32 s6, s4;
	s6 =	sor.u32 s10, s22  }
0xe: {  	s8 =	sadd.s32 s0, s8;
	s2 =	ssub.s32 s2, s9;
	s11 =	sadd.s32 s25, s1  }
0xf: {  	s12 =	sadd.s32 $0x21800, s5;
	s22 =	simm.s32 $0xEC40;
	s5 =	simm.s32 $0x80  }
0x10: {  	s4 =	sshrl.u32 s4, $0x3;
	s6 =	smul.u32 $0x500, s6;
	s23 =	sadd.s32 $0x17A00, s8  }
0x11: {  	s24 =	sadd.s32 $0xB840, s8;
	s14 =	sadd.s32 $0x2000, s11;
	s15 =	sadd.s32 $0x4000, s11  }
0x12: {  	s16 =	sadd.s32 $0x6000, s11;
	s17 =	sadd.s32 $0x8000, s11;
	s18 =	smax.u32 s2, $0x1  }
0x13: {  	s25 =	sshrl.u32 s11, $0x3;
	s2 =	simm.s32 $0x3;
	[dreg:$0x6] =	wrdreg s23  }
0x14: {  	s4 =	sadd.s32 s4, s0;
	[dreg:$0x7] =	wrdreg s24;
	s23 =	simm.s32 $0x11440  }
0x15: {  	s24 =	sor.u32 $0x1C05, s26;
	s26 =	simm.s32 $0x50;
	s4 =	sadd.s32 $0x17000, s4  }
0x16: {  	s0 =	sadd.s32 s6, s0;
	s6 =	simm.s32 $0x0;
	[dreg:$0x8] =	wrdreg s4  }
0x17: {  	s13 =	sadd.s32 $0x49E00, s0;
	s0 =	simm.s32 $0x1;
	s4 =	simm.s32 $0x4  }
.LBB2_1:
0x18: {  	s8 =	rddreg [dreg:$0x6]  }
0x19: {  	[tilespmem:s3], [sflag:$0x5] =	stream.linear.gather [hbm4b:s8+s3], $0x4E20, $0x38;
	[tilespmem:$0x1DEC0] =	vst v63  }
0x1a: {  	_ =	swait.ge [sflag:s19], $0x4E20  }
0x1b: {  	[sflag:s19] =	ssyncset.done $0x0  }
0x1c: {  	s9 =	simm.s32 $0x4E20;
	s10 =	rddreg [dreg:$0x7];
	[sflag:s19] =	ssyncadd.s32 $0xFFFFB1E0  }
0x1d: {  	[tilespmem:s9], [sflag:$0x5] =	stream.linear.gather [hbm4b:s10+s3], $0x4E20, $0x38;
	[tilespmem:$0x1DEC0] =	vst v63  }
0x1e: {  	_ =	swait.ge [sflag:s19], $0x4E20  }
0x1f: {  	[sflag:s19] =	ssyncset.done $0x0  }
0x20: {  	s9 =	rddreg [dreg:$0x8];
	[sflag:s19] =	ssyncadd.s32 $0xFFFFB1E0  }
0x21: {  	[tilespmem:s21], [sflag:$0x5] =	stream.linear.gather [hbm4b:s9+s3], $0x280, $0x38;
	[tilespmem:$0x1DEC0] =	vst v63  }
0x22: {  	_ =	swait.ge [sflag:s19], $0x280  }
0x23: {  	[sflag:s19] =	ssyncset.done $0x0  }
0x24: {  	s10 =	rddreg [dreg:$0x3];
	[sflag:s19] =	ssyncadd.s32 $0xFFFFFD80  }
0x25: {  	[tilespmem:s22], [sflag:$0x5] =	stream.linear.gather [hbm4b:s10+s3], $0x2800, $0x38;
	[tilespmem:$0x1DEC0] =	vst v63  }
0x26: {  	_ =	swait.ge [sflag:s19], $0x2800  }
0x27: {  	[sflag:s19] =	ssyncset.done $0x0  }
0x28: {  	s9 =	rddreg [dreg:$0x5];
	[sflag:s19] =	ssyncadd.s32 $0xFFFFD800  }
0x29: {  	[tilespmem:s23], [sflag:$0x5] =	stream.linear.gather [hbm4b:s9+s3], $0x2800, $0x38;
	[tilespmem:$0x1DEC0] =	vst v63  }
0x2a: {  	_ =	swait.ge [sflag:s19], $0x2800  }
0x2b: {  	[sflag:s19] =	ssyncset.done $0x0  }
0x2c: {  	s10 =	rddreg [dreg:$0x4];
	[sflag:s19] =	ssyncadd.s32 $0xFFFFD800  }
0x2d: {  	[spmem:s25], [sflag:s24] =	dma.local [hbm:s10], $0x1400  }
0x2e: {  	_ =	swait.ge [sflag:s19], $0x1400  }
0x2f: {  	[sflag:s19] =	ssyncset.done $0x0  }
0x30: {  	[sflag:s19] =	ssyncadd.s32 $0xFFFFEC00  }
0x31: {  	[bflag:$0x0] =	sbarrier.arrive $0xFFFF  }
0x32: {  	[tilespmem:s28], [sflag:$0x1] =	stream.indirect.gather [hbm4b:s12+s26], $0x40, s3, s26, $0xb8;
	[tilespmem:$0x1DEC0] =	vst v63  }
0x33: {  	s8 =	simm.s32 $0x0  }
0x34: {  	[tilespmem:s29], [sflag:$0x1] =	stream.indirect.gather [hbm4b:s12+s26], $0x40, s26, s26, $0xb8;
	[tilespmem:$0x1DEC0] =	vst v63  }
.LBB2_2:
0x35: {  	s9 =	sshra.s32 s8, $0x2  }
0x36: {  	s10 =	sadd.s32 $0xA0, s9  }
0x37: {  	[tilespmem:s30], [sflag:$0x2] =	stream.indirect.gather [hbm4b:s12+s26], $0x40, s10, s26, $0xb8;
	[tilespmem:$0x1DEC0] =	vst v63  }
0x38: {  	s10 =	sadd.s32 $0xF0, s9  }
0x39: {  	[tilespmem:s31], [sflag:$0x2] =	stream.indirect.gather [hbm4b:s12+s26], $0x40, s10, s26, $0xb8;
	[tilespmem:$0x1DEC0] =	vst v63  }
0x3a: {  	_ =	swait.ge [sflag:s0], $0x2800  }
0x3b: {  	[sflag:s0] =	ssyncset.done $0x0  }
0x3c: {  	s10 =	sadd.s32 $0x4E20, s9;
	[sflag:s0] =	ssyncadd.s32 $0xFFFFD800  }
0x3d: {  	[spmem:s1] =	stream.indirect.scatter.add.f32 [tilespmem:s28], [sflag:$0x3], $0x40, s10, s26, $0xb8;
	[tilespmem:$0x1DEC0] =	vst v63  }
0x3e: {  	s10 =	sadd.s32 $0x4E70, s9  }
0x3f: {  	[spmem:s1] =	stream.indirect.scatter.add.f32 [tilespmem:s29], [sflag:$0x3], $0x40, s10, s26, $0xb8;
	[tilespmem:$0x1DEC0] =	vst v63  }
0x40: {  	v0 =	vld [tilespmem:s9+$0x4E20];
	_ =	sdelay $0x1  }
0x41: {  	v1 =	vld [tilespmem:s9+$0x0];
	_ =	sdelay $0x4  }
0x42: {  	v1 =	vshrl.u32 v1, $0x1  }
0x43: {  	v1 =	vadd.s32 $0x2800, v1;
	v0 =	vld.idx.msk [tilespmem:v0+s22+$0x0], $0xffff;
	_ =	sdelay $0x4  }
0x44: {  	[tilespmem:v1+s22+$0x0] =	vst.idx.add.f32.msk $0xffff, v0  }
0x45: {  	v0 =	vld [tilespmem:s9+$0x4E30];
	_ =	sdelay $0x1  }
0x46: {  	v1 =	vld [tilespmem:s9+$0x10];
	_ =	sdelay $0x4  }
0x47: {  	v1 =	vshrl.u32 v1, $0x1  }
0x48: {  	v1 =	vadd.s32 $0x2800, v1;
	v0 =	vld.idx.msk [tilespmem:v0+s22+$0x0], $0xffff;
	_ =	sdelay $0x4  }
0x49: {  	[tilespmem:v1+s22+$0x0] =	vst.idx.add.f32.msk $0xffff, v0  }
0x4a: {  	v0 =	vld [tilespmem:s9+$0x4E40];
	_ =	sdelay $0x1  }
0x4b: {  	v1 =	vld [tilespmem:s9+$0x20];
	_ =	sdelay $0x4  }
0x4c: {  	v1 =	vshrl.u32 v1, $0x1  }
0x4d: {  	v1 =	vadd.s32 $0x2800, v1;
	v0 =	vld.idx.msk [tilespmem:v0+s22+$0x0], $0xffff;
	_ =	sdelay $0x4  }
0x4e: {  	[tilespmem:v1+s22+$0x0] =	vst.idx.add.f32.msk $0xffff, v0  }
0x4f: {  	v0 =	vld [tilespmem:s9+$0x4E50];
	_ =	sdelay $0x1  }
0x50: {  	v1 =	vld [tilespmem:s9+$0x30];
	_ =	sdelay $0x4  }
0x51: {  	v1 =	vshrl.u32 v1, $0x1  }
0x52: {  	v1 =	vadd.s32 $0x2800, v1;
	v0 =	vld.idx.msk [tilespmem:v0+s22+$0x0], $0xffff;
	_ =	sdelay $0x4  }
0x53: {  	[tilespmem:v1+s22+$0x0] =	vst.idx.add.f32.msk $0xffff, v0  }
0x54: {  	v0 =	vld [tilespmem:s9+$0x4E60];
	_ =	sdelay $0x1  }
0x55: {  	v1 =	vld [tilespmem:s9+$0x40];
	_ =	sdelay $0x4  }
0x56: {  	v1 =	vshrl.u32 v1, $0x1  }
0x57: {  	v1 =	vadd.s32 $0x2800, v1;
	v0 =	vld.idx.msk [tilespmem:v0+s22+$0x0], $0xffff;
	_ =	sdelay $0x4  }
0x58: {  	[tilespmem:v1+s22+$0x0] =	vst.idx.add.f32.msk $0xffff, v0  }
0x59: {  	v0 =	vld [tilespmem:s9+$0x4E70];
	_ =	sdelay $0x1  }
0x5a: {  	v1 =	vld [tilespmem:s9+$0x50];
	_ =	sdelay $0x4  }
0x5b: {  	v1 =	vshrl.u32 v1, $0x1  }
0x5c: {  	v1 =	vadd.s32 $0x2800, v1;
	v0 =	vld.idx.msk [tilespmem:v0+s22+$0x0], $0xffff;
	_ =	sdelay $0x4  }
0x5d: {  	[tilespmem:v1+s22+$0x0] =	vst.idx.add.f32.msk $0xffff, v0  }
0x5e: {  	v0 =	vld [tilespmem:s9+$0x4E80];
	_ =	sdelay $0x1  }
0x5f: {  	v1 =	vld [tilespmem:s9+$0x60];
	_ =	sdelay $0x4  }
0x60: {  	v1 =	vshrl.u32 v1, $0x1  }
0x61: {  	v1 =	vadd.s32 $0x2800, v1;
	v0 =	vld.idx.msk [tilespmem:v0+s22+$0x0], $0xffff;
	_ =	sdelay $0x4  }
0x62: {  	[tilespmem:v1+s22+$0x0] =	vst.idx.add.f32.msk $0xffff, v0  }
0x63: {  	v0 =	vld [tilespmem:s9+$0x4E90];
	_ =	sdelay $0x1  }
0x64: {  	v1 =	vld [tilespmem:s9+$0x70];
	_ =	sdelay $0x4  }
0x65: {  	v1 =	vshrl.u32 v1, $0x1  }
0x66: {  	v1 =	vadd.s32 $0x2800, v1;
	v0 =	vld.idx.msk [tilespmem:v0+s22+$0x0], $0xffff;
	_ =	sdelay $0x4  }
0x67: {  	[tilespmem:v1+s22+$0x0] =	vst.idx.add.f32.msk $0xffff, v0  }
0x68: {  	v0 =	vld [tilespmem:s9+$0x4EA0];
	_ =	sdelay $0x1  }
0x69: {  	v1 =	vld [tilespmem:s9+$0x80];
	_ =	sdelay $0x4  }
0x6a: {  	v1 =	vshrl.u32 v1, $0x1  }
0x6b: {  	v1 =	vadd.s32 $0x2800, v1;
	v0 =	vld.idx.msk [tilespmem:v0+s22+$0x0], $0xffff;
	_ =	sdelay $0x4  }
0x6c: {  	[tilespmem:v1+s22+$0x0] =	vst.idx.add.f32.msk $0xffff, v0  }
0x6d: {  	v0 =	vld [tilespmem:s9+$0x4EB0];
	_ =	sdelay $0x1  }
0x6e: {  	v1 =	vld [tilespmem:s9+$0x90];
	_ =	sdelay $0x4  }
0x6f: {  	v1 =	vshrl.u32 v1, $0x1  }
0x70: {  	v1 =	vadd.s32 $0x2800, v1;
	v0 =	vld.idx.msk [tilespmem:v0+s22+$0x0], $0xffff;
	_ =	sdelay $0x4  }
0x71: {  	[tilespmem:v1+s22+$0x0] =	vst.idx.add.f32.msk $0xffff, v0  }
0x72: {  	_ =	swait.ge [sflag:s2], $0x2800  }
0x73: {  	[sflag:s2] =	ssyncset.done $0x0  }
0x74: {  	s10 =	sadd.s32 $0x140, s9;
	[sflag:s2] =	ssyncadd.s32 $0xFFFFD800  }
0x75: {  	[tilespmem:s28], [sflag:$0x1] =	stream.indirect.gather [hbm4b:s12+s26], $0x40, s10, s26, $0xb8;
	[tilespmem:$0x1DEC0] =	vst v63  }
0x76: {  	s10 =	sadd.s32 $0x190, s9  }
0x77: {  	[tilespmem:s29], [sflag:$0x1] =	stream.indirect.gather [hbm4b:s12+s26], $0x40, s10, s26, $0xb8;
	[tilespmem:$0x1DEC0] =	vst v63  }
0x78: {  	_ =	swait.ge [sflag:s20], $0x2800  }
0x79: {  	[sflag:s20] =	ssyncset.done $0x0  }
0x7a: {  	s10 =	sadd.s32 $0x4EC0, s9;
	[sflag:s20] =	ssyncadd.s32 $0xFFFFD800  }
0x7b: {  	[spmem:s1] =	stream.indirect.scatter.add.f32 [tilespmem:s30], [sflag:$0x4], $0x40, s10, s26, $0xb8;
	[tilespmem:$0x1DEC0] =	vst v63  }
0x7c: {  	s10 =	sadd.s32 $0x4F10, s9  }
0x7d: {  	[spmem:s1] =	stream.indirect.scatter.add.f32 [tilespmem:s31], [sflag:$0x4], $0x40, s10, s26, $0xb8;
	[tilespmem:$0x1DEC0] =	vst v63  }
0x7e: {  	v62 =	vld [tilespmem:s9+$0x4EC0];
	_ =	sdelay $0x1  }
0x7f: {  	v63 =	vld [tilespmem:s9+$0xA0];
	_ =	sdelay $0x4  }
0x80: {  	v1 =	vshrl.u32 v63, $0x1  }
0x81: {  	v1 =	vadd.s32 $0x2800, v1;
	v0 =	vld.idx.msk [tilespmem:v62+s22+$0x0], $0xffff;
	_ =	sdelay $0x4  }
0x82: {  	[tilespmem:v1+s22+$0x0] =	vst.idx.add.f32.msk $0xffff, v0  }
0x83: {  	v0 =	vld [tilespmem:s9+$0x4ED0];
	_ =	sdelay $0x1  }
0x84: {  	v1 =	vld [tilespmem:s9+$0xB0];
	_ =	sdelay $0x4  }
0x85: {  	v1 =	vshrl.u32 v1, $0x1  }
0x86: {  	v1 =	vadd.s32 $0x2800, v1;
	v0 =	vld.idx.msk [tilespmem:v0+s22+$0x0], $0xffff;
	_ =	sdelay $0x4  }
0x87: {  	[tilespmem:v1+s22+$0x0] =	vst.idx.add.f32.msk $0xffff, v0  }
0x88: {  	v0 =	vld [tilespmem:s9+$0x4EE0];
	_ =	sdelay $0x1  }
0x89: {  	v1 =	vld [tilespmem:s9+$0xC0];
	_ =	sdelay $0x4  }
0x8a: {  	v1 =	vshrl.u32 v1, $0x1  }
0x8b: {  	v1 =	vadd.s32 $0x2800, v1;
	v0 =	vld.idx.msk [tilespmem:v0+s22+$0x0], $0xffff;
	_ =	sdelay $0x4  }
0x8c: {  	[tilespmem:v1+s22+$0x0] =	vst.idx.add.f32.msk $0xffff, v0  }
0x8d: {  	v0 =	vld [tilespmem:s9+$0x4EF0];
	_ =	sdelay $0x1  }
0x8e: {  	v1 =	vld [tilespmem:s9+$0xD0];
	_ =	sdelay $0x4  }
0x8f: {  	v1 =	vshrl.u32 v1, $0x1  }
0x90: {  	v1 =	vadd.s32 $0x2800, v1;
	v0 =	vld.idx.msk [tilespmem:v0+s22+$0x0], $0xffff;
	_ =	sdelay $0x4  }
0x91: {  	[tilespmem:v1+s22+$0x0] =	vst.idx.add.f32.msk $0xffff, v0  }
0x92: {  	v0 =	vld [tilespmem:s9+$0x4F00];
	_ =	sdelay $0x1  }
0x93: {  	v1 =	vld [tilespmem:s9+$0xE0];
	_ =	sdelay $0x4  }
0x94: {  	v1 =	vshrl.u32 v1, $0x1  }
0x95: {  	v1 =	vadd.s32 $0x2800, v1;
	v0 =	vld.idx.msk [tilespmem:v0+s22+$0x0], $0xffff;
	_ =	sdelay $0x4  }
0x96: {  	[tilespmem:v1+s22+$0x0] =	vst.idx.add.f32.msk $0xffff, v0  }
0x97: {  	v0 =	vld [tilespmem:s9+$0x4F10];
	_ =	sdelay $0x1  }
0x98: {  	v1 =	vld [tilespmem:s9+$0xF0];
	_ =	sdelay $0x4  }
0x99: {  	v1 =	vshrl.u32 v1, $0x1  }
0x9a: {  	v1 =	vadd.s32 $0x2800, v1;
	v0 =	vld.idx.msk [tilespmem:v0+s22+$0x0], $0xffff;
	_ =	sdelay $0x4  }
0x9b: {  	[tilespmem:v1+s22+$0x0] =	vst.idx.add.f32.msk $0xffff, v0  }
0x9c: {  	v0 =	vld [tilespmem:s9+$0x4F20];
	_ =	sdelay $0x1  }
0x9d: {  	v1 =	vld [tilespmem:s9+$0x100];
	_ =	sdelay $0x4  }
0x9e: {  	v1 =	vshrl.u32 v1, $0x1  }
0x9f: {  	v1 =	vadd.s32 $0x2800, v1;
	v0 =	vld.idx.msk [tilespmem:v0+s22+$0x0], $0xffff;
	_ =	sdelay $0x4  }
0xa0: {  	[tilespmem:v1+s22+$0x0] =	vst.idx.add.f32.msk $0xffff, v0  }
0xa1: {  	v0 =	vld [tilespmem:s9+$0x4F30];
	_ =	sdelay $0x1  }
0xa2: {  	v1 =	vld [tilespmem:s9+$0x110];
	_ =	sdelay $0x4  }
0xa3: {  	v1 =	vshrl.u32 v1, $0x1  }
0xa4: {  	v1 =	vadd.s32 $0x2800, v1;
	v0 =	vld.idx.msk [tilespmem:v0+s22+$0x0], $0xffff;
	_ =	sdelay $0x4  }
0xa5: {  	[tilespmem:v1+s22+$0x0] =	vst.idx.add.f32.msk $0xffff, v0  }
0xa6: {  	v0 =	vld [tilespmem:s9+$0x4F40];
	_ =	sdelay $0x1  }
0xa7: {  	v1 =	vld [tilespmem:s9+$0x120];
	_ =	sdelay $0x4  }
0xa8: {  	v1 =	vshrl.u32 v1, $0x1  }
0xa9: {  	v1 =	vadd.s32 $0x2800, v1;
	v0 =	vld.idx.msk [tilespmem:v0+s22+$0x0], $0xffff;
	_ =	sdelay $0x4  }
0xaa: {  	[tilespmem:v1+s22+$0x0] =	vst.idx.add.f32.msk $0xffff, v0  }
0xab: {  	v0 =	vld [tilespmem:s9+$0x4F50];
	_ =	sdelay $0x1  }
0xac: {  	v1 =	vld [tilespmem:s9+$0x130];
	_ =	sdelay $0x4  }
0xad: {  	v1 =	vshrl.u32 v1, $0x1  }
0xae: {  	v1 =	vadd.s32 $0x2800, v1;
	v0 =	vld.idx.msk [tilespmem:v0+s22+$0x0], $0xffff;
	_ =	sdelay $0x2  }
0xaf: {  	p0 =	sne.s32 s8, $0x13100  }
.Ltmp0:
0xb0: {  	_ = 	snop;
	(pc) =	sbr.rel @p0 .LBB2_2-.Ltmp0, $4  }
0xb1: {  	[tilespmem:v1+s22+$0x0] =	vst.idx.add.f32.msk $0xffff, v0  }
0xb2: {  	_ =	swait.ge [sflag:s4], $0x2800  }
0xb3: {  	[sflag:s4] =	ssyncset.done $0x0  }
0xb4: {  	s8 =	sadd.s32 $0x500, s8;
	[sflag:s4] =	ssyncadd.s32 $0xFFFFD800  }
0xb5: {  	_ =	swait.ge [sflag:s0], $0x2800  }
0xb6: {  	[sflag:s0] =	ssyncset.done $0x0  }
0xb7: {  	s8 =	simm.s32 $0x9BA0;
	[sflag:s0] =	ssyncadd.s32 $0xFFFFD800  }
0xb8: {  	[spmem:s1] =	stream.indirect.scatter.add.f32 [tilespmem:s28], [sflag:$0x3], $0x40, s8, s26, $0xb8;
	[tilespmem:$0x1DEC0] =	vst v63  }
0xb9: {  	s10 =	simm.s32 $0x9BF0  }
0xba: {  	[spmem:s1] =	stream.indirect.scatter.add.f32 [tilespmem:s29], [sflag:$0x3], $0x40, s10, s26, $0xb8;
	[tilespmem:$0x1DEC0] =	vst v63  }
0xbb: {  	v0 =	vld [tilespmem:$0x9BA0];
	_ =	sdelay $0x1  }
0xbc: {  	v1 =	vld [tilespmem:$0x4D80];
	_ =	sdelay $0x4  }
0xbd: {  	v1 =	vshrl.u32 v1, $0x1  }
0xbe: {  	v1 =	vadd.s32 $0x2800, v1;
	v0 =	vld.idx.msk [tilespmem:v0+s22+$0x0], $0xffff;
	_ =	sdelay $0x4  }
0xbf: {  	[tilespmem:v1+s22+$0x0] =	vst.idx.add.f32.msk $0xffff, v0  }
0xc0: {  	v0 =	vld [tilespmem:$0x9BB0];
	_ =	sdelay $0x1  }
0xc1: {  	v1 =	vld [tilespmem:$0x4D90];
	_ =	sdelay $0x4  }
0xc2: {  	v1 =	vshrl.u32 v1, $0x1  }
0xc3: {  	v1 =	vadd.s32 $0x2800, v1;
	v0 =	vld.idx.msk [tilespmem:v0+s22+$0x0], $0xffff;
	_ =	sdelay $0x4  }
0xc4: {  	[tilespmem:v1+s22+$0x0] =	vst.idx.add.f32.msk $0xffff, v0  }
0xc5: {  	v0 =	vld [tilespmem:$0x9BC0];
	_ =	sdelay $0x1  }
0xc6: {  	v1 =	vld [tilespmem:$0x4DA0];
	_ =	sdelay $0x4  }
0xc7: {  	v1 =	vshrl.u32 v1, $0x1  }
0xc8: {  	v1 =	vadd.s32 $0x2800, v1;
	v0 =	vld.idx.msk [tilespmem:v0+s22+$0x0], $0xffff;
	_ =	sdelay $0x4  }
0xc9: {  	[tilespmem:v1+s22+$0x0] =	vst.idx.add.f32.msk $0xffff, v0  }
0xca: {  	v0 =	vld [tilespmem:$0x9BD0];
	_ =	sdelay $0x1  }
0xcb: {  	v1 =	vld [tilespmem:$0x4DB0];
	_ =	sdelay $0x4  }
0xcc: {  	v1 =	vshrl.u32 v1, $0x1  }
0xcd: {  	v1 =	vadd.s32 $0x2800, v1;
	v0 =	vld.idx.msk [tilespmem:v0+s22+$0x0], $0xffff;
	_ =	sdelay $0x4  }
0xce: {  	[tilespmem:v1+s22+$0x0] =	vst.idx.add.f32.msk $0xffff, v0  }
0xcf: {  	v0 =	vld [tilespmem:$0x9BE0];
	_ =	sdelay $0x1  }
0xd0: {  	v1 =	vld [tilespmem:$0x4DC0];
	_ =	sdelay $0x4  }
0xd1: {  	v1 =	vshrl.u32 v1, $0x1  }
0xd2: {  	v1 =	vadd.s32 $0x2800, v1;
	v0 =	vld.idx.msk [tilespmem:v0+s22+$0x0], $0xffff;
	_ =	sdelay $0x4  }
0xd3: {  	[tilespmem:v1+s22+$0x0] =	vst.idx.add.f32.msk $0xffff, v0  }
0xd4: {  	v0 =	vld [tilespmem:$0x9BF0];
	_ =	sdelay $0x1  }
0xd5: {  	v1 =	vld [tilespmem:$0x4DD0];
	_ =	sdelay $0x4  }
0xd6: {  	v1 =	vshrl.u32 v1, $0x1  }
0xd7: {  	v1 =	vadd.s32 $0x2800, v1;
	v0 =	vld.idx.msk [tilespmem:v0+s22+$0x0], $0xffff;
	_ =	sdelay $0x4  }
0xd8: {  	[tilespmem:v1+s22+$0x0] =	vst.idx.add.f32.msk $0xffff, v0  }
0xd9: {  	v0 =	vld [tilespmem:$0x9C00];
	_ =	sdelay $0x1  }
0xda: {  	v1 =	vld [tilespmem:$0x4DE0];
	_ =	sdelay $0x4  }
0xdb: {  	v1 =	vshrl.u32 v1, $0x1  }
0xdc: {  	v1 =	vadd.s32 $0x2800, v1;
	v0 =	vld.idx.msk [tilespmem:v0+s22+$0x0], $0xffff;
	_ =	sdelay $0x4  }
0xdd: {  	[tilespmem:v1+s22+$0x0] =	vst.idx.add.f32.msk $0xffff, v0  }
0xde: {  	v0 =	vld [tilespmem:$0x9C10];
	_ =	sdelay $0x1  }
0xdf: {  	v1 =	vld [tilespmem:$0x4DF0];
	_ =	sdelay $0x4  }
0xe0: {  	v1 =	vshrl.u32 v1, $0x1  }
0xe1: {  	v1 =	vadd.s32 $0x2800, v1;
	v0 =	vld.idx.msk [tilespmem:v0+s22+$0x0], $0xffff;
	_ =	sdelay $0x4  }
0xe2: {  	[tilespmem:v1+s22+$0x0] =	vst.idx.add.f32.msk $0xffff, v0  }
0xe3: {  	v0 =	vld [tilespmem:$0x9C20];
	_ =	sdelay $0x1  }
0xe4: {  	v1 =	vld [tilespmem:$0x4E00];
	_ =	sdelay $0x4  }
0xe5: {  	v1 =	vshrl.u32 v1, $0x1  }
0xe6: {  	v1 =	vadd.s32 $0x2800, v1;
	v0 =	vld.idx.msk [tilespmem:v0+s22+$0x0], $0xffff;
	_ =	sdelay $0x4  }
0xe7: {  	[tilespmem:v1+s22+$0x0] =	vst.idx.add.f32.msk $0xffff, v0  }
0xe8: {  	v0 =	vld [tilespmem:$0x9C30];
	_ =	sdelay $0x1  }
0xe9: {  	v1 =	vld [tilespmem:$0x4E10];
	_ =	sdelay $0x4  }
0xea: {  	v1 =	vshrl.u32 v1, $0x1  }
0xeb: {  	v1 =	vadd.s32 $0x2800, v1;
	v0 =	vld.idx.msk [tilespmem:v0+s22+$0x0], $0xffff;
	_ =	sdelay $0x4  }
0xec: {  	[tilespmem:v1+s22+$0x0] =	vst.idx.add.f32.msk $0xffff, v0  }
0xed: {  	_ =	swait.ge [sflag:s2], $0x2800  }
0xee: {  	[sflag:s2] =	ssyncset.done $0x0  }
0xef: {  	[sflag:s2] =	ssyncadd.s32 $0xFFFFD800  }
0xf0: {  	[hbm4b:s13+s3] =	stream.linear.scatter [tilespmem:s23], [sflag:$0x5], $0x2800, $0x38;
	[tilespmem:$0x1DEC0] =	vst v63  }
0xf1: {  	_ =	swait.ge [sflag:s19], $0x2800  }
0xf2: {  	[sflag:s19] =	ssyncset.done $0x0  }
0xf3: {  	[sflag:s19] =	ssyncadd.s32 $0xFFFFD800  }
0xf4: {  	[bflag:$0x0] =	sbarrier.arrive $0xFFFF  }
0xf5: {  	[tilespmem:s28], [sflag:$0x5] =	stream.linear.gather [spmem:s11], $0x2000, $0x38;
	[tilespmem:$0x1DEC0] =	vst v63  }
0xf6: {  	_ =	swait.ge [sflag:s19], $0x2000  }
0xf7: {  	[sflag:s19] =	ssyncset.done $0x0  }
0xf8: {  	[sflag:s19] =	ssyncadd.s32 $0xFFFFE000  }
0xf9: {  	[hbm4b:s7+s5] =	stream.indirect.scatter [tilespmem:s28], [sflag:$0x5], $0x40, s21, s5, $0xb8;
	[tilespmem:$0x1DEC0] =	vst v63  }
0xfa: {  	_ =	swait.ge [sflag:s19], $0x2000  }
0xfb: {  	[sflag:s19] =	ssyncset.done $0x0  }
0xfc: {  	[sflag:s19] =	ssyncadd.s32 $0xFFFFE000  }
0xfd: {  	[tilespmem:s28], [sflag:$0x5] =	stream.linear.gather [spmem:s14], $0x2000, $0x38;
	[tilespmem:$0x1DEC0] =	vst v63  }
0xfe: {  	_ =	swait.ge [sflag:s19], $0x2000  }
0xff: {  	[sflag:s19] =	ssyncset.done $0x0  }
0x100: {  	s9 =	simm.s32 $0x13CC0;
	[sflag:s19] =	ssyncadd.s32 $0xFFFFE000  }
0x101: {  	[hbm4b:s7+s5] =	stream.indirect.scatter [tilespmem:s28], [sflag:$0x5], $0x40, s9, s5, $0xb8;
	[tilespmem:$0x1DEC0] =	vst v63  }
0x102: {  	_ =	swait.ge [sflag:s19], $0x2000  }
0x103: {  	[sflag:s19] =	ssyncset.done $0x0  }
0x104: {  	[sflag:s19] =	ssyncadd.s32 $0xFFFFE000  }
0x105: {  	[tilespmem:s28], [sflag:$0x5] =	stream.linear.gather [spmem:s15], $0x2000, $0x38;
	[tilespmem:$0x1DEC0] =	vst v63  }
0x106: {  	_ =	swait.ge [sflag:s19], $0x2000  }
0x107: {  	[sflag:s19] =	ssyncset.done $0x0  }
0x108: {  	s10 =	simm.s32 $0x13D40;
	[sflag:s19] =	ssyncadd.s32 $0xFFFFE000  }
0x109: {  	[hbm4b:s7+s5] =	stream.indirect.scatter [tilespmem:s28], [sflag:$0x5], $0x40, s10, s5, $0xb8;
	[tilespmem:$0x1DEC0] =	vst v63  }
0x10a: {  	_ =	swait.ge [sflag:s19], $0x2000  }
0x10b: {  	[sflag:s19] =	ssyncset.done $0x0  }
0x10c: {  	[sflag:s19] =	ssyncadd.s32 $0xFFFFE000  }
0x10d: {  	[tilespmem:s28], [sflag:$0x5] =	stream.linear.gather [spmem:s16], $0x2000, $0x38;
	[tilespmem:$0x1DEC0] =	vst v63  }
0x10e: {  	_ =	swait.ge [sflag:s19], $0x2000  }
0x10f: {  	[sflag:s19] =	ssyncset.done $0x0  }
0x110: {  	s9 =	simm.s32 $0x13DC0;
	[sflag:s19] =	ssyncadd.s32 $0xFFFFE000  }
0x111: {  	[hbm4b:s7+s5] =	stream.indirect.scatter [tilespmem:s28], [sflag:$0x5], $0x40, s9, s5, $0xb8;
	[tilespmem:$0x1DEC0] =	vst v63  }
0x112: {  	_ =	swait.ge [sflag:s19], $0x2000  }
0x113: {  	[sflag:s19] =	ssyncset.done $0x0  }
0x114: {  	[sflag:s19] =	ssyncadd.s32 $0xFFFFE000  }
0x115: {  	[tilespmem:s28], [sflag:$0x5] =	stream.linear.gather [spmem:s17], $0x2000, $0x38;
	[tilespmem:$0x1DEC0] =	vst v63  }
0x116: {  	s6 =	sadd.s32 $0x1, s6;
	_ =	swait.ge [sflag:s19], $0x2000  }
0x117: {  	p0 =	sne.s32 s6, s18;
	[sflag:s19] =	ssyncset.done $0x0  }
.Ltmp1:
0x118: {  	s10 =	simm.s32 $0x13E40;
	[sflag:s19] =	ssyncadd.s32 $0xFFFFE000;
	(pc) =	sbr.rel @p0 .LBB2_1-.Ltmp1, $4  }
0x119: {  	[hbm4b:s7+s5] =	stream.indirect.scatter [tilespmem:s28], [sflag:$0x5], $0x40, s10, s5, $0xb8;
	[tilespmem:$0x1DEC0] =	vst v63  }
0x11a: {  	_ =	swait.ge [sflag:s19], $0x2000  }
0x11b: {  	[sflag:s19] =	ssyncset.done $0x0  }
0x11c: {  	[sflag:s19] =	ssyncadd.s32 $0xFFFFE000  }
0x11d: {  	_ =	sfence.sel $0x180000  }
0x11e: {  	[bflag:$0x0] =	sbarrier.arrive $0xFFFF  }
0x11f: {  	_ =	strace $0x9000004A  }
0x120: {  	s0 =	stileid.u32;
	[bflag:$0x2] =	sbarrier.arrive $0xFFFF  }
0x121: {  	p0 =	sne.s32 s0, $0x0;
	s0 =	rddreg [dreg:$0x2]  }
0x122: {  	s0 =	sadd.s32 @!p0 $0x100000, s0  }
0x123: {  	[sflag:s0] =	ssyncadd.tile.s32 @!p0 $0x1;
	_ =	shalt  }
.Lfunc_end2:
_tile_overlayer_lowered:
.L_overlay_start_2:
0x124: {  	(tag) =	ssettag $0x2  }
0x125: {  	s0 =	rddreg [dreg:$0x0];
	s2 =	stileid.u32  }
0x126: {  	s1 =	rddreg [dreg:$0x1];
	p0 =	sne.s32 s2, $0x0  }
0x127: {  	s3 =	rddreg [dreg:$0x2];
	[bflag:$0x3] =	sbarrier.arrive $0xFFFF;
	s2 =	simm.s32 @!p0 $0x1C05  }
0x128: {  	[timem:s3], [sflag:s2] =	dma.local @!p0 [hbm:s0], s1  }
0x129: {  	s0 =	simm.s32 @!p0 $0x5  }
0x12a: {  	_ =	swait.ge @!p0 [sflag:s0], s1  }
0x12b: {  	s1 =	ssub.s32 @!p0 $0x0, s1;
	[sflag:s0] =	ssyncset.done @!p0 $0x0  }
0x12c: {  	[sflag:s0] =	ssyncadd.s32 @!p0 s1  }
0x12d: {  	[bflag:$0x3] =	sbarrier.arrive $0xFFFF  }
0x12e: {  	_ =	shalt  }

// kernel: kernel.7.cloned.1.call-start
scs
__scs_entry_jumppad:
0x0: {  	(pc) =	sbr.rel $0x88, $3  }
0x1: {  	(tag) =	ssettag $0x0;
	lr =	simm.s32 $0x1  }
0x2: {  	[smem:$0x3F99] =	sst lr;
	_ =	strace $0xD0000000  }
0x3: {  	_ = 	snop  }
0x4: {  	_ = 	snop  }
0x5: {  	_ = 	snop  }
0x6: {  	_ = 	snop  }
0x7: {  	_ = 	snop  }
__scs_overlays_trampoline_lowered:
0x8: {  	[smem:$0x3FA8] =	sst s0  }
0x9: {  	[smem:$0x3FA9] =	sst s1  }
0xa: {  	[smem:$0x3FAA] =	sst s2  }
0xb: {  	[smem:$0x3FAB] =	sst s3  }
0xc: {  	[smem:$0x3FAC] =	sst s4  }
0xd: {  	[smem:$0x3FAD] =	sst s5  }
0xe: {  	[smem:$0x3FAE] =	sst s6  }
0xf: {  	[smem:$0x3FAF] =	sst s7  }
0x10: {  	[smem:$0x3FB0] =	sst s8  }
0x11: {  	[smem:$0x3FB1] =	sst s9;
	s0 =	simm.s32 @!p0 $0x0  }
0x12: {  	s1 =	sld [smem:$0x3F97];
	s0 =	simm.s32 @p0 $0x1  }
0x13: {  	[smem:$0x3FB2] =	sst s0;
	s0 =	simm.s32 @!p1 $0x0  }
0x14: {  	s2 =	sld [smem:$0x3F96];
	s0 =	simm.s32 @p1 $0x1  }
0x15: {  	[smem:$0x3FB3] =	sst s0;
	s0 =	simm.s32 @!p2 $0x0  }
0x16: {  	s3 =	sld [smem:$0x3FDB];
	s0 =	simm.s32 @p2 $0x1  }
0x17: {  	s4 =	simm.s32 $0x1BF5;
	[smem:$0x3FB5] =	sst s0  }
0x18: {  	s0 =	sld [smem:$0x3F98];
	_ =	swait.ge [sflag:s4], $0x0  }
0x19: {  	s7 =	sld [smem:$0x3F99]  }
0x1a: {  	s8 =	sadd.s32 $0xFFFFE003, lr  }
0x1b: {  	s9 =	sadd.s32 $0xFFFFFEF7, lr;
	s5 =	simm.s32 $0xFFFFFFFF;
	p2 =	slt.u32 s8, $0xFFFFF086  }
0x1c: {  	p1 =	slt.u32 s9, $0xF7A;
	s5 =	simm.s32 @!p2 $0x0  }
0x1d: {  	s5 =	simm.s32 @p1 $0x1;
	p0 =	seq.s32 s7, s2  }
0x1e: {  	s7 =	smul.u32 @!p0 $0xF7A, s2;
	p2 =	seq.s32 @!p0 s5, $0x0  }
0x1f: {  	s9 =	smul.u32 $0xF7A, s1;
	s8 =	simm.s32 @!p0 $0x1BF5;
	p2 =	por !p2, p0  }
0x20: {  	[sflag:s8] =	ssyncset.s32 @!p0 $0xFFFFF086;
	s6 =	sadd.s32 @!p0 s3, s7;
	s7 =	simm.s32 @!p0 $0x108  }
0x21: {  	s3 =	sadd.s32 s3, s9;
	s6 =	sadd.s32 @!p0 $0x88, s6;
	s7 =	simm.s32 @p2 $0x1082  }
0x22: {  	[simem:s7], [sflag:s8] =	dma.local @!p0 [hbm:s6], $0xF7A  }
0x23: {  	s9 =	sor.u32 $0xD0000000, s2;
	s6 =	simm.s32 $0x108;
	_ =	swait.ge @!p0 [sflag:s8], $0x0  }
0x24: {  	s3 =	sadd.s32 $0x88, s3;
	s6 =	simm.s32 @!p1 $0x1082;
	[sflag:s4] =	ssyncset.s32 $0xFFFFF086  }
0x25: {  	[simem:s6], [sflag:s4] =	dma.local [hbm:s3], $0xF7A  }
0x26: {  	[smem:$0x3F99] =	sst s1;
	(tag) =	ssettag s2;
	_ =	strace s9  }
0x27: {  	s1 =	sld [smem:$0x3FA9]  }
0x28: {  	s2 =	sld [smem:$0x3FAA]  }
0x29: {  	s4 =	sld [smem:$0x3FAC]  }
0x2a: {  	p0 =	seq.s32 s5, $0x0;
	s5 =	sld [smem:$0x3FAD]  }
0x2b: {  	s6 =	sld [smem:$0x3FAE]  }
0x2c: {  	s7 =	sld [smem:$0x3FAF]  }
0x2d: {  	s3 =	simm.s32 $0x108;
	s8 =	sld [smem:$0x3FB0]  }
0x2e: {  	s3 =	simm.s32 @!p0 $0x1082;
	s9 =	sld [smem:$0x3FB1]  }
0x2f: {  	lr =	sadd.s32 s0, s3;
	s0 =	sld [smem:$0x3FA8]  }
0x30: {  	s3 =	sld [smem:$0x3FAB]  }
0x31: {  	[smem:$0x3FB4] =	sst s10  }
0x32: {  	s10 =	sld [smem:$0x3FB2];
	_ =	sdelay $0x3  }
0x33: {  	p0 =	seq.s32 s10, $0x1;
	s10 =	sld [smem:$0x3FB4];
	_ =	sdelay $0x3  }
0x34: {  	[smem:$0x3FB4] =	sst s10  }
0x35: {  	s10 =	sld [smem:$0x3FB3];
	_ =	sdelay $0x3  }
0x36: {  	p1 =	seq.s32 s10, $0x1;
	s10 =	sld [smem:$0x3FB4];
	_ =	sdelay $0x3  }
0x37: {  	[smem:$0x3FB4] =	sst s10  }
0x38: {  	s10 =	sld [smem:$0x3FB5]  }
0x39: {  	_ = 	snop;
	(pc) =	sbr.ind lr, $3  }
0x3a: {  	_ = 	snop  }
0x3b: {  	_ = 	snop  }
0x3c: {  	p2 =	seq.s32 s10, $0x1;
	s10 =	sld [smem:$0x3FB4]  }
0x3d: {  	_ =	shalt  }
0x3e: {  	_ =	shalt  }
0x3f: {  	_ =	shalt  }
0x40: {  	_ =	shalt  }
0x41: {  	_ =	shalt  }
0x42: {  	_ =	shalt  }
0x43: {  	_ =	shalt  }
0x44: {  	_ =	shalt  }
0x45: {  	_ =	shalt  }
0x46: {  	_ =	shalt  }
0x47: {  	_ =	shalt  }
0x48: {  	_ =	shalt  }
0x49: {  	_ =	shalt  }
0x4a: {  	_ =	shalt  }
0x4b: {  	_ =	shalt  }
0x4c: {  	_ =	shalt  }
0x4d: {  	_ =	shalt  }
0x4e: {  	_ =	shalt  }
0x4f: {  	_ =	shalt  }
0x50: {  	_ =	shalt  }
0x51: {  	_ =	shalt  }
0x52: {  	_ =	shalt  }
0x53: {  	_ =	shalt  }
0x54: {  	_ =	shalt  }
0x55: {  	_ =	shalt  }
0x56: {  	_ =	shalt  }
0x57: {  	_ =	shalt  }
0x58: {  	_ =	shalt  }
0x59: {  	_ =	shalt  }
0x5a: {  	_ =	shalt  }
0x5b: {  	_ =	shalt  }
0x5c: {  	_ =	shalt  }
0x5d: {  	_ =	shalt  }
0x5e: {  	_ =	shalt  }
0x5f: {  	_ =	shalt  }
0x60: {  	_ =	shalt  }
0x61: {  	_ =	shalt  }
0x62: {  	_ =	shalt  }
0x63: {  	_ =	shalt  }
0x64: {  	_ =	shalt  }
0x65: {  	_ =	shalt  }
0x66: {  	_ =	shalt  }
0x67: {  	_ =	shalt  }
0x68: {  	_ =	shalt  }
0x69: {  	_ =	shalt  }
0x6a: {  	_ =	shalt  }
0x6b: {  	_ =	shalt  }
0x6c: {  	_ =	shalt  }
0x6d: {  	_ =	shalt  }
0x6e: {  	_ =	shalt  }
0x6f: {  	_ =	shalt  }
0x70: {  	_ =	shalt  }
0x71: {  	_ =	shalt  }
0x72: {  	_ =	shalt  }
0x73: {  	_ =	shalt  }
0x74: {  	_ =	shalt  }
0x75: {  	_ =	shalt  }
0x76: {  	_ =	shalt  }
0x77: {  	_ =	shalt  }
0x78: {  	_ =	shalt  }
0x79: {  	_ =	shalt  }
0x7a: {  	_ =	shalt  }
0x7b: {  	_ =	shalt  }
0x7c: {  	_ =	shalt  }
0x7d: {  	_ =	shalt  }
0x7e: {  	_ =	shalt  }
0x7f: {  	_ =	shalt  }
0x80: {  	_ =	shalt  }
0x81: {  	_ =	shalt  }
0x82: {  	_ =	shalt  }
0x83: {  	_ =	shalt  }
0x84: {  	_ =	shalt  }
0x85: {  	_ =	shalt  }
0x86: {  	_ =	shalt  }
0x87: {  	_ =	shalt  }
.Lfunc_end0:
.L_simem_size_0:
called_computation_lowered:
.L_overlay_start_0:
0x88: {  	s2 =	sld [smem:$0x3FD9]  }
0x89: {  	s3 =	sld [smem:$0x3FFE];
	_ =	sdelay $0x1  }
0x8a: {  	s1 =	srdreg.scid  }
0x8b: {  	s0 =	sand.u32 $0x1, s1  }
0x8c: {  	s17 =	sshll.u32 s0, $0xA;
	s2 =	sadd.s32 s3, s2  }
0x8d: {  	s2 =	sadd.s32 s2, s17  }
0x8e: {  	[smem:$0x3FC0] =	sst s2  }
0x8f: {  	_ = 	snop  }
0x90: {  	s2 =	sld [smem:$0x3FD0];
	(tm) =	ssettm $0x1  }
0x91: {  	s18 =	sld [smem:$0x3FFB];
	_ =	sdelay $0x3  }
0x92: {  	_ =	strace s18  }
0x93: {  	s3 =	sld [smem:$0x3FFC];
	_ =	sdelay $0x3  }
0x94: {  	_ =	strace s3  }
0x95: {  	s3 =	sld [smem:$0x3FFD];
	_ =	sdelay $0x3  }
0x96: {  	_ =	strace s3  }
0x97: {  	_ =	strace $0x8FFFFFFF  }
0x98: {  	s19 =	sld [smem:$0x3FDB];
	_ =	sdelay $0x1  }
0x99: {  	s4 =	simm.s32 $_scs_section_size  }
0x9a: {  	s5 =	simm.s32 $_size__tile_overlayer_lowered;
	s6 =	simm.s32 $_tile_overlayer_lowered  }
0x9b: {  	s22 =	simm.s32 $0x1BFF;
	s21 =	sshll.u32 s6, $0x1;
	s3 =	sadd.s32 s4, s19  }
0x9c: {  	s7 =	simm.s32 $0x0;
	s20 =	sshll.u32 s5, $0x1;
	s5 =	sadd.s32 s21, s3  }
0x9d: {  	[timem:s7], [sflag:s22] =	dma.local [hbm:s5], s20  }
0x9e: {  	_ =	swait.ge [sflag:s22], s20  }
0x9f: {  	s4 =	ssub.s32 $0x0, s20;
	[sflag:s22] =	ssyncset.done $0x0  }
0xa0: {  	[sflag:s22] =	ssyncadd.s32 s4;
	_ =	sdelay $0x1  }
0xa1: {  	s23 =	simm.s32 $0x1B8B  }
0xa2: {  	_ =	swait.ge [sflag:s23], $0x1  }
0xa3: {  	[sflag:s23] =	ssyncset.done $0x0  }
0xa4: {  	s25 =	simm.s32 $0x1B8E;
	s24 =	sld [smem:$0x3FFE];
	[sflag:s23] =	ssyncadd.s32 $0xFFFFFFFF  }
0xa5: {  	s26 =	simm.s32 $execute0_lowered;
	[smem:$0x3FD2] =	sst s25  }
0xa6: {  	s5 =	sshll.u32 s26, $0x1;
	_ =	strace $0x80000046;
	[dreg:$0x1] =	wrdreg $0xFFFFFFFF  }
0xa7: {  	s28 =	simm.s32 $_size_execute0_lowered;
	s3 =	sadd.s32 s3, s5;
	[dreg:$0x0] =	wrdreg $0x0  }
0xa8: {  	s5 =	sshll.u32 s28, $0x1;
	[dreg:$0x2] =	wrdreg s3  }
0xa9: {  	[dreg:$0x3] =	wrdreg s5  }
0xaa: {  	[dreg:$0x4] =	wrdreg $0xC0  }
0xab: {  	_ =	task [dreg:s7], $0x5FFFF  }
0xac: {  	[dreg:$0x1] =	wrdreg $0xFFFFFFFF  }
0xad: {  	[dreg:$0x0] =	wrdreg $0x60  }
0xae: {  	[dreg:$0x2] =	wrdreg s24  }
0xaf: {  	[dreg:$0x3] =	wrdreg s2  }
0xb0: {  	[dreg:$0x4] =	wrdreg $0x9E700  }
0xb1: {  	[dreg:$0x5] =	wrdreg $0xA0F00  }
0xb2: {  	[dreg:$0x6] =	wrdreg $0x9  }
0xb3: {  	_ =	task.clear_ibuf [dreg:s7], $0x7FFFF;
	_ =	strace $0x90000046  }
0xb4: {  	s29 =	simm.s32 $0x9;
	_ =	strace $0x80000048  }
0xb5: {  	_ =	swait.ge [sflag:s29], $0x1  }
0xb6: {  	[sflag:s29] =	ssyncadd.s32 $0xFFFFFFFF  }
0xb7: {  	_ =	strace $0x90000048  }
0xb8: {  	_ =	sfence  }
0xb9: {  	s30 =	sld [smem:$0x0];
	_ =	sdelay $0x2  }
0xba: {  	s31 =	sshll.u32 s1, $0xD;
	s1 =	sshrl.u32 s1, $0x2  }
0xbb: {  	s3 =	sand.u32 $0x4000, s31;
	s1 =	sadd.s32 s1, s30  }
0xbc: {  	s0 =	sor.u32 s3, s0;
	s1 =	sshll.u32 s1, $0x11  }
0xbd: {  	s0 =	sor.u32 s1, s0  }
0xbe: {  	s0 =	sadd.s32 $0x8F2B, s0  }
0xbf: {  	[sflag:s0] =	ssyncadd.remote.s32 $0x1  }
0xc0: {  	_ =	sfence.sel $0xFFFF  }
0xc1: {  	[dreg:$0x0] =	wrdreg $0xFFFFFFFF;
	(pc) =	sbr.abs _section_cstart, $3  }
0xc2: {  	[dreg:$0x1] =	wrdreg $0xFFFFFFFF  }
0xc3: {  	_ =	task.clear_ibuf [dreg:s7], $0x2FFFF;
	_ =	strace $0x9FFFFFFF  }
0xc4: {  	(tm) =	ssettm $0x7FFFFFFF  }
0xc5: {  	_ =	shalt  }
tec
execute0_lowered:
.L_overlay_start_1:
0x0: {  	(tag) =	ssettag $0x1  }
0x1: {  	s7 =	rddreg [dreg:$0x0]  }
0x2: {  	s1 =	rddreg [dreg:$0x1]  }
0x3: {  	s0 =	srdreg.scid;
	s3 =	rddreg [dreg:$0x2]  }
0x4: {  	s4 =	rddreg [dreg:$0x3];
	s5 =	simm.s32 $0x0;
	s13 =	simm.s32 $0x2710  }
0x5: {  	s14 =	simm.s32 $0x9E20;
	s15 =	simm.s32 $0x4E20;
	s16 =	simm.s32 $0x7620  }
0x6: {  	s20 =	simm.s32 $0x50;
	s6 =	sand.u32 $0x1, s0;
	s0 =	stileid.u32  }
0x7: {  	s21 =	simm.s32 $0x0;
	[smem:$0x7FF] =	sst s5;
	s9 =	smul.u32 $0x280, s0  }
0x8: {  	s2 =	sshll.u32 s6, $0x4;
	s10 =	smul.u32 $0x5000, s6;
	s11 =	ssub.s32 $0x2, s6  }
0x9: {  	s6 =	sadd.s32 $0x15600, s7;
	s17 =	sshll.u32 s0, $0x6;
	s2 =	sor.u32 s0, s2  }
0xa: {  	s12 =	sshrl.u32 s11, $0x1;
	s17 =	sor.u32 $0x1C01, s17;
	s8 =	smul.u32 $0x2710, s2  }
0xb: {  	s2 =	rddreg [dreg:$0x4];
	_ =	strace $0x80000047;
	s10 =	sadd.s32 s9, s10  }
0xc: {  	s11 =	ssub.s32 s11, s12;
	s18 =	sadd.s32 s9, s3;
	s19 =	sadd.s32 s9, s4  }
0xd: {  	s12 =	simm.s32 $0x1;
	s10 =	sshrl.u32 s10, $0x3;
	s11 =	smax.u32 s11, $0x1  }
0xe: {  	s18 =	sshrl.u32 s18, $0x3;
	s8 =	sshrl.u32 s8, $0x3;
	s10 =	sadd.s32 s10, s7  }
0xf: {  	s19 =	sshrl.u32 s19, $0x3;
	s8 =	sadd.s32 s8, s7;
	s9 =	sadd.s32 $0x15C00, s10  }
0x10: {  	v0 =	vimm.f32 $1.000000000e+00;
	s10 =	sadd.s32 $0x16100, s10;
	s7 =	sadd.s32 $0x1C00, s8;
	s8 =	sadd.s32 $0xB840, s8  }
.LBB2_1:
0x11: {  	[tilespmem:s5], [sflag:$0x1] =	stream.linear.gather [hbm4b:s7+s5], $0x2710, $0x38;
	[tilespmem:$0xA370] =	vst v63  }
0x12: {  	_ =	swait.ge [sflag:s12], $0x2710  }
0x13: {  	[sflag:s12] =	ssyncset.done $0x0  }
0x14: {  	[sflag:s12] =	ssyncadd.s32 $0xFFFFD8F0  }
0x15: {  	[tilespmem:s13], [sflag:$0x1] =	stream.linear.gather [hbm4b:s8+s5], $0x2710, $0x38;
	[tilespmem:$0xA370] =	vst v63  }
0x16: {  	_ =	swait.ge [sflag:s12], $0x2710  }
0x17: {  	[sflag:s12] =	ssyncset.done $0x0  }
0x18: {  	[sflag:s12] =	ssyncadd.s32 $0xFFFFD8F0  }
0x19: {  	[tilespmem:s14], [sflag:$0x1] =	stream.linear.gather [hbm4b:s1+s5], $0x50, $0x38;
	[tilespmem:$0xA370] =	vst v63  }
0x1a: {  	_ =	swait.ge [sflag:s12], $0x50  }
0x1b: {  	[sflag:s12] =	ssyncset.done $0x0  }
0x1c: {  	[sflag:s12] =	ssyncadd.s32 $0xFFFFFFB0  }
0x1d: {  	[tilespmem:s15], [sflag:$0x1] =	stream.linear.gather [hbm4b:s6+s5], $0x2800, $0x38;
	[tilespmem:$0xA370] =	vst v63  }
0x1e: {  	_ =	swait.ge [sflag:s12], $0x2800  }
0x1f: {  	[sflag:s12] =	ssyncset.done $0x0  }
0x20: {  	[sflag:s12] =	ssyncadd.s32 $0xFFFFD800  }
0x21: {  	[tilespmem:s16], [sflag:$0x1] =	stream.linear.gather [hbm4b:s6+s5], $0x2800, $0x38;
	[tilespmem:$0xA370] =	vst v63  }
0x22: {  	_ =	swait.ge [sflag:s12], $0x2800  }
0x23: {  	[sflag:s12] =	ssyncset.done $0x0  }
0x24: {  	[sflag:s12] =	ssyncadd.s32 $0xFFFFD800  }
0x25: {  	[spmem:s18], [sflag:s17] =	dma.local [hbm:s6], $0x50  }
0x26: {  	_ =	swait.ge [sflag:s12], $0x50  }
0x27: {  	[sflag:s12] =	ssyncset.done $0x0  }
0x28: {  	[sflag:s12] =	ssyncadd.s32 $0xFFFFFFB0  }
0x29: {  	[spmem:s19], [sflag:s17] =	dma.local [hbm:s6], $0x50  }
0x2a: {  	_ =	swait.ge [sflag:s12], $0x50  }
0x2b: {  	[sflag:s12] =	ssyncset.done $0x0  }
0x2c: {  	[sflag:s12] =	ssyncadd.s32 $0xFFFFFFB0  }
0x2d: {  	s22 =	simm.s32 $0x0;
	[bflag:$0x0] =	sbarrier.arrive $0xFFFF  }
.LBB2_2:
0x2e: {  	s23 =	sshra.s32 s22, $0x2  }
0x2f: {  	v1 =	vld [tilespmem:s23+$0x0]  }
0x30: {  	v2 =	vld [tilespmem:s23+$0x2710];
	_ =	sdelay $0x6  }
0x31: {  	[tilespmem:v1+s15+$0x0] =	vst.idx.add.f32.msk $0xffff, v0  }
0x32: {  	[tilespmem:v2+s16+$0x0] =	vst.idx.add.f32.msk $0xffff, v0  }
0x33: {  	v1 =	vld [tilespmem:s23+$0x10]  }
0x34: {  	v2 =	vld [tilespmem:s23+$0x2720];
	_ =	sdelay $0x6  }
0x35: {  	[tilespmem:v1+s15+$0x0] =	vst.idx.add.f32.msk $0xffff, v0  }
0x36: {  	[tilespmem:v2+s16+$0x0] =	vst.idx.add.f32.msk $0xffff, v0  }
0x37: {  	v1 =	vld [tilespmem:s23+$0x20]  }
0x38: {  	v2 =	vld [tilespmem:s23+$0x2730];
	_ =	sdelay $0x6  }
0x39: {  	[tilespmem:v1+s15+$0x0] =	vst.idx.add.f32.msk $0xffff, v0  }
0x3a: {  	[tilespmem:v2+s16+$0x0] =	vst.idx.add.f32.msk $0xffff, v0  }
0x3b: {  	v1 =	vld [tilespmem:s23+$0x30]  }
0x3c: {  	v2 =	vld [tilespmem:s23+$0x2740];
	_ =	sdelay $0x6  }
0x3d: {  	[tilespmem:v1+s15+$0x0] =	vst.idx.add.f32.msk $0xffff, v0  }
0x3e: {  	[tilespmem:v2+s16+$0x0] =	vst.idx.add.f32.msk $0xffff, v0  }
0x3f: {  	v1 =	vld [tilespmem:s23+$0x40]  }
0x40: {  	v2 =	vld [tilespmem:s23+$0x2750];
	_ =	sdelay $0x2  }
0x41: {  	p0 =	sne.s32 s22, $0x9B00  }
.Ltmp0:
0x42: {  	_ = 	snop;
	(pc) =	sbr.rel @p0 .LBB2_2-.Ltmp0, $3  }
0x43: {  	_ =	sdelay $0x1  }
0x44: {  	[tilespmem:v1+s15+$0x0] =	vst.idx.add.f32.msk $0xffff, v0  }
0x45: {  	s22 =	sadd.s32 $0x140, s22;
	[tilespmem:v2+s16+$0x0] =	vst.idx.add.f32.msk $0xffff, v0  }
0x46: {  	[spmem:s3] =	stream.indirect.scatter.add.f32 [tilespmem:s15], [sflag:$0x1], $0x80, s14, s20, $0xb8;
	[tilespmem:$0xA370] =	vst v63  }
0x47: {  	_ =	swait.ge [sflag:s12], $0x2800  }
0x48: {  	[sflag:s12] =	ssyncset.done $0x0  }
0x49: {  	[sflag:s12] =	ssyncadd.s32 $0xFFFFD800  }
0x4a: {  	[spmem:s4] =	stream.indirect.scatter.add.f32 [tilespmem:s16], [sflag:$0x1], $0x80, s14, s20, $0xb8;
	[tilespmem:$0xA370] =	vst v63  }
0x4b: {  	_ =	swait.ge [sflag:s12], $0x2800  }
0x4c: {  	[sflag:s12] =	ssyncset.done $0x0  }
0x4d: {  	[sflag:s12] =	ssyncadd.s32 $0xFFFFD800  }
0x4e: {  	[bflag:$0x0] =	sbarrier.arrive $0xFFFF  }
0x4f: {  	[hbm:s9], [sflag:s17] =	dma.local [spmem:s18], $0x50  }
0x50: {  	s21 =	sadd.s32 $0x1, s21;
	_ =	swait.ge [sflag:s12], $0x50  }
0x51: {  	p0 =	sne.s32 s21, s11;
	[sflag:s12] =	ssyncset.done $0x0  }
.Ltmp1:
0x52: {  	[sflag:s12] =	ssyncadd.s32 $0xFFFFFFB0;
	(pc) =	sbr.rel @p0 .LBB2_1-.Ltmp1, $4  }
0x53: {  	[hbm:s10], [sflag:s17] =	dma.local [spmem:s19], $0x50  }
0x54: {  	_ =	swait.ge [sflag:s12], $0x50  }
0x55: {  	[sflag:s12] =	ssyncset.done $0x0  }
0x56: {  	[sflag:s12] =	ssyncadd.s32 $0xFFFFFFB0  }
0x57: {  	_ =	sfence.sel $0x180000  }
0x58: {  	[bflag:$0x0] =	sbarrier.arrive $0xFFFF  }
0x59: {  	p0 =	sne.s32 s0, $0x0;
	_ =	strace $0x90000047  }
0x5a: {  	s0 =	sadd.s32 @!p0 $0x100000, s2;
	[bflag:$0x2] =	sbarrier.arrive $0xFFFF  }
0x5b: {  	[sflag:s0] =	ssyncadd.tile.s32 @!p0 $0x1;
	_ =	shalt  }
.Lfunc_end2:
_tile_overlayer_lowered:
.L_overlay_start_2:
0x5c: {  	(tag) =	ssettag $0x2  }
0x5d: {  	s0 =	rddreg [dreg:$0x0];
	s2 =	stileid.u32  }
0x5e: {  	s1 =	rddreg [dreg:$0x1];
	p0 =	sne.s32 s2, $0x0  }
0x5f: {  	s3 =	rddreg [dreg:$0x2];
	[bflag:$0x3] =	sbarrier.arrive $0xFFFF;
	s2 =	simm.s32 @!p0 $0x1C01  }
0x60: {  	[timem:s3], [sflag:s2] =	dma.local @!p0 [hbm:s0], s1  }
0x61: {  	s0 =	simm.s32 @!p0 $0x1  }
0x62: {  	_ =	swait.ge @!p0 [sflag:s0], s1  }
0x63: {  	s1 =	ssub.s32 @!p0 $0x0, s1;
	[sflag:s0] =	ssyncset.done @!p0 $0x0  }
0x64: {  	[sflag:s0] =	ssyncadd.s32 @!p0 s1  }
0x65: {  	[bflag:$0x3] =	sbarrier.arrive $0xFFFF  }
0x66: {  	_ =	shalt  }

</sc_bundles>
